<compile_context>
chip_gen: v7x
topology: tpu7x:2x2x1
jax: 0.10.2.dev20260603
libtpu: 0.0.44.dev20260713+nightly
codegen_flags: <defaults>
</compile_context>

<pallas_src>
import functools

import jax
import jax.numpy as jnp
from jax import lax
from jax.experimental import pallas as pl
from jax.experimental.pallas import tpu as pltpu
from jax.experimental.pallas import tpu_sc as plsc

N_WORKERS = 32
CHUNK = 640
NBUF = 2
DP = 128


def _gather_call(n_per_w, d, idx, w):
    mesh = plsc.VectorSubcoreMesh(core_axis_name="c", subcore_axis_name="s")
    n_chunks = n_per_w // CHUNK

    @functools.partial(
        pl.kernel,
        mesh=mesh,
        out_type=jax.ShapeDtypeStruct((N_WORKERS * n_per_w, DP), jnp.float32),
        scratch_types=[
            pltpu.VMEM((n_per_w,), jnp.int32),
        ]
        + [pltpu.VMEM((CHUNK, d), jnp.float32) for _ in range(NBUF)]
        + [pltpu.SemaphoreType.DMA for _ in range(2 * NBUF)],
        compiler_params=pltpu.CompilerParams(use_tc_tiling_on_sc=False),
    )
    def k(idx_hbm, table_hbm, out_hbm, idx_v, *bufs):
        rows = bufs[:NBUF]
        gsems = bufs[NBUF : 2 * NBUF]
        osems = bufs[2 * NBUF :]
        cid = lax.axis_index("c")
        sid = lax.axis_index("s")
        wid = sid * 2 + cid
        out_base = wid * n_per_w
        pltpu.sync_copy(idx_hbm.at[pl.ds(out_base, n_per_w)], idx_v)

        def out_slice(j):
            return out_hbm.at[pl.ds(out_base + j * CHUNK, CHUNK), pl.ds(0, d)]

        def idx_slice(j):
            return idx_v.at[pl.ds(j * CHUNK, CHUNK)]

        for b in range(NBUF):
            pltpu.async_copy(table_hbm.at[idx_slice(b)], rows[b], gsems[b])

        for j in range(n_chunks):
            b = j % NBUF
            pltpu.make_async_copy(
                table_hbm.at[idx_slice(j)], rows[b], gsems[b]
            ).wait()
            pltpu.async_copy(rows[b], out_slice(j), osems[b])
            nj = j + NBUF
            if nj < n_chunks:
                pltpu.make_async_copy(rows[b], out_slice(j), osems[b]).wait()
                pltpu.async_copy(table_hbm.at[idx_slice(nj)], rows[b], gsems[b])

        for j in range(n_chunks - NBUF, n_chunks):
            b = j % NBUF
            pltpu.make_async_copy(rows[b], out_slice(j), osems[b]).wait()

    return k(idx, w)


def kernel(inputs, w):
    b, h = inputs.shape
    v, d = w.shape
    n = b * h
    assert n % (N_WORKERS * CHUNK) == 0
    n_per_w = n // N_WORKERS
    idx = (inputs.T.reshape(n) * 2).astype(jnp.int32)
    wp = jnp.pad(w, ((0, 0), (0, DP - d))).reshape(2 * v, d)
    out = _gather_call(n_per_w, d, idx, wp)
    return out.reshape(h, b, DP)[:, :, :d].swapaxes(0, 1)

# --- scband reference (transcript-rebuilt; emitter-appended) ---
"""Pipeline reference for scband-tied-embedding-softmax-41652592837396 (READ-ONLY COPY).

The authoritative reference and input builder live on the scoring server;
editing this copy changes nothing except your own understanding.
"""

import jax, jax.numpy as jnp
import numpy as np

VOCAB = 1000000
EMBED = 64
BATCH = 16384
HIST = 20

def setup_inputs(seed: int = 0) -> dict:
    key = jax.random.key(seed)
    k1, k2 = jax.random.split(key)
    inputs = jax.random.randint(k1, (BATCH, HIST), 0, VOCAB, dtype=jnp.int64 if jax.config.jax_enable_x64 else jnp.int32)
    w = 0.01 * jax.random.normal(k2, (VOCAB, EMBED), dtype=jnp.float32)
    return {"inputs": inputs, "w": w}

def reference(inputs, w):
    # embed=True path: torch.nn.functional.embedding(inputs, self.w)
    return jnp.take(w, inputs, axis=0)

if __name__ == "__main__":
    import jax
    _d = setup_inputs()
    print(jax.jit(kernel)(*tuple(_d.values())))

</pallas_src>

<mosaic_0001>
#map = affine_map<(d0, d1) -> (0)>
#map1 = affine_map<(d0, d1) -> (0, 0)>
module attributes {stable_mosaic.version = 14 : i64} {
  func.func @k(%arg0: i32, %arg1: i32, %arg2: memref<327680xi32, #tpu.memory_space<hbm>>, %arg3: memref<2000000x64xf32, #tpu.memory_space<hbm>>, %arg4: memref<327680x128xf32, #tpu.memory_space<hbm>>, %arg5: memref<10240xi32, #tpu.memory_space<vmem>>, %arg6: memref<640x64xf32, #tpu.memory_space<vmem>>, %arg7: memref<640x64xf32, #tpu.memory_space<vmem>>, %arg8: memref<!tpu.dma_semaphore, #tpu.memory_space<semaphore_mem>>, %arg9: memref<!tpu.dma_semaphore, #tpu.memory_space<semaphore_mem>>, %arg10: memref<!tpu.dma_semaphore, #tpu.memory_space<semaphore_mem>>, %arg11: memref<!tpu.dma_semaphore, #tpu.memory_space<semaphore_mem>>) attributes {dimension_semantics = [#tpu.dimension_semantics<core_parallel>, #tpu.dimension_semantics<subcore_parallel>], iteration_bounds = array<i64: 2, 16>, scalar_prefetch = 0 : i64, scratch_operands = 7 : i64, tpu.core_type = #tpu.core_type<sc_vector_subcore>, window_params = [{transform_indices = #map}, {transform_indices = #map1}, {transform_indices = #map1}]} {
    %mul3A = arith.constant 2 : i32
    %mul3A_0 = arith.muli %arg1, %mul3A : i32
    %add3A = arith.addi %mul3A_0, %arg0 : i32
    %mul3A_1 = arith.constant 10240 : i32
    %mul3A_2 = arith.muli %add3A, %mul3A_1 : i32
    "tpu.region"() ({
      %run_scoped3A = tpu.sem_alloc : memref<!tpu.dma_semaphore, #tpu.memory_space<semaphore_mem>>
      %dma_start3A_353 = tpu.memref_slice %arg2[%mul3A_2] : memref<327680xi32, #tpu.memory_space<hbm>> -> memref<10240xi32, #tpu.memory_space<hbm>>
      %dma_start3A_354 = tpu.memref_slice %arg2[%mul3A_2] : memref<327680xi32, #tpu.memory_space<hbm>> -> memref<10240xi32, #tpu.memory_space<hbm>>
      tpu.enqueue_dma source(%dma_start3A_354 : memref<10240xi32, #tpu.memory_space<hbm>>) target(%arg5 : memref<10240xi32, #tpu.memory_space<vmem>>) target_semaphore(%run_scoped3A : memref<!tpu.dma_semaphore, #tpu.memory_space<semaphore_mem>>)
      %dma_wait3A_355 = tpu.memref_slice %arg2[%mul3A_2] : memref<327680xi32, #tpu.memory_space<hbm>> -> memref<10240xi32, #tpu.memory_space<hbm>>
      %dma_wait3A_356 = tpu.memref_slice %arg2[%mul3A_2] : memref<327680xi32, #tpu.memory_space<hbm>> -> memref<10240xi32, #tpu.memory_space<hbm>>
      tpu.wait_dma2 semaphore(%run_scoped3A : memref<!tpu.dma_semaphore, #tpu.memory_space<semaphore_mem>>) src(%dma_wait3A_356 : memref<10240xi32, #tpu.memory_space<hbm>>) dst(%arg5 : memref<10240xi32, #tpu.memory_space<vmem>>)
      tpu.yield
    }) : () -> ()
    %dma_start3A = arith.constant 0 : i32
    %dma_start3A_3 = tpu.memref_slice %arg5[%dma_start3A] : memref<10240xi32, #tpu.memory_space<vmem>> -> memref<640xi32, #tpu.memory_space<vmem>>
    %dma_start3A_4 = arith.constant 0 : i32
    %dma_start3A_5 = arith.constant 0 : i32
    %dma_start3A_6 = tpu.memref_slice %arg3[%dma_start3A_4, %dma_start3A_5] : memref<2000000x64xf32, #tpu.memory_space<hbm>> -> memref<2000000x64xf32, #tpu.memory_space<hbm>>
    tpu.enqueue_indirect_dma source(%dma_start3A_6 : memref<2000000x64xf32, #tpu.memory_space<hbm>>) target(%arg6 : memref<640x64xf32, #tpu.memory_space<vmem>>) offsets(%dma_start3A_3 : memref<640xi32, #tpu.memory_space<vmem>>) semaphore(%arg8 : memref<!tpu.dma_semaphore, #tpu.memory_space<semaphore_mem>>)
    %dma_start3A_7 = arith.constant 640 : i32
    %dma_start3A_8 = tpu.memref_slice %arg5[%dma_start3A_7] : memref<10240xi32, #tpu.memory_space<vmem>> -> memref<640xi32, #tpu.memory_space<vmem>>
    %dma_start3A_9 = arith.constant 0 : i32
    %dma_start3A_10 = arith.constant 0 : i32
    %dma_start3A_11 = tpu.memref_slice %arg3[%dma_start3A_9, %dma_start3A_10] : memref<2000000x64xf32, #tpu.memory_space<hbm>> -> memref<2000000x64xf32, #tpu.memory_space<hbm>>
    tpu.enqueue_indirect_dma source(%dma_start3A_11 : memref<2000000x64xf32, #tpu.memory_space<hbm>>) target(%arg7 : memref<640x64xf32, #tpu.memory_space<vmem>>) offsets(%dma_start3A_8 : memref<640xi32, #tpu.memory_space<vmem>>) semaphore(%arg9 : memref<!tpu.dma_semaphore, #tpu.memory_space<semaphore_mem>>)
    %dma_wait3A = arith.constant 0 : i32
    %dma_wait3A_12 = tpu.memref_slice %arg5[%dma_wait3A] : memref<10240xi32, #tpu.memory_space<vmem>> -> memref<640xi32, #tpu.memory_space<vmem>>
    %dma_wait3A_13 = arith.constant 0 : i32
    %dma_wait3A_14 = arith.constant 0 : i32
    %dma_wait3A_15 = tpu.memref_slice %arg3[%dma_wait3A_13, %dma_wait3A_14] : memref<2000000x64xf32, #tpu.memory_space<hbm>> -> memref<2000000x64xf32, #tpu.memory_space<hbm>>
    tpu.wait_indirect_dma semaphore(%arg8 : memref<!tpu.dma_semaphore, #tpu.memory_space<semaphore_mem>>) src(%dma_wait3A_15 : memref<2000000x64xf32, #tpu.memory_space<hbm>>) dst(%arg6 : memref<640x64xf32, #tpu.memory_space<vmem>>)
    %add3A_16 = arith.constant 0 : i32
    %add3A_17 = arith.addi %mul3A_2, %add3A_16 : i32
    %dma_start3A_18 = arith.constant 0 : i32
    %dma_start3A_19 = tpu.memref_slice %arg4[%add3A_17, %dma_start3A_18] : memref<327680x128xf32, #tpu.memory_space<hbm>> -> memref<640x64xf32, #tpu.memory_space<hbm>>
    %dma_start3A_20 = arith.constant 0 : i32
    %dma_start3A_21 = tpu.memref_slice %arg4[%add3A_17, %dma_start3A_20] : memref<327680x128xf32, #tpu.memory_space<hbm>> -> memref<640x64xf32, #tpu.memory_space<hbm>>
    tpu.enqueue_dma source(%arg6 : memref<640x64xf32, #tpu.memory_space<vmem>>) target(%dma_start3A_21 : memref<640x64xf32, #tpu.memory_space<hbm>>) target_semaphore(%arg10 : memref<!tpu.dma_semaphore, #tpu.memory_space<semaphore_mem>>)
    %add3A_22 = arith.constant 0 : i32
    %add3A_23 = arith.addi %mul3A_2, %add3A_22 : i32
    %dma_wait3A_24 = arith.constant 0 : i32
    %dma_wait3A_25 = tpu.memref_slice %arg4[%add3A_23, %dma_wait3A_24] : memref<327680x128xf32, #tpu.memory_space<hbm>> -> memref<640x64xf32, #tpu.memory_space<hbm>>
    %dma_wait3A_26 = arith.constant 0 : i32
    %dma_wait3A_27 = tpu.memref_slice %arg4[%add3A_23, %dma_wait3A_26] : memref<327680x128xf32, #tpu.memory_space<hbm>> -> memref<640x64xf32, #tpu.memory_space<hbm>>
    tpu.wait_dma2 semaphore(%arg10 : memref<!tpu.dma_semaphore, #tpu.memory_space<semaphore_mem>>) src(%arg6 : memref<640x64xf32, #tpu.memory_space<vmem>>) dst(%dma_wait3A_27 : memref<640x64xf32, #tpu.memory_space<hbm>>)
    %dma_start3A_28 = arith.constant 1280 : i32
    %dma_start3A_29 = tpu.memref_slice %arg5[%dma_start3A_28] : memref<10240xi32, #tpu.memory_space<vmem>> -> memref<640xi32, #tpu.memory_space<vmem>>
    %dma_start3A_30 = arith.constant 0 : i32
    %dma_start3A_31 = arith.constant 0 : i32
    %dma_start3A_32 = tpu.memref_slice %arg3[%dma_start3A_30, %dma_start3A_31] : memref<2000000x64xf32, #tpu.memory_space<hbm>> -> memref<2000000x64xf32, #tpu.memory_space<hbm>>
    tpu.enqueue_indirect_dma source(%dma_start3A_32 : memref<2000000x64xf32, #tpu.memory_space<hbm>>) target(%arg6 : memref<640x64xf32, #tpu.memory_space<vmem>>) offsets(%dma_start3A_29 : memref<640xi32, #tpu.memory_space<vmem>>) semaphore(%arg8 : memref<!tpu.dma_semaphore, #tpu.memory_space<semaphore_mem>>)
    %dma_wait3A_33 = arith.constant 640 : i32
    %dma_wait3A_34 = tpu.memref_slice %arg5[%dma_wait3A_33] : memref<10240xi32, #tpu.memory_space<vmem>> -> memref<640xi32, #tpu.memory_space<vmem>>
    %dma_wait3A_35 = arith.constant 0 : i32
    %dma_wait3A_36 = arith.constant 0 : i32
    %dma_wait3A_37 = tpu.memref_slice %arg3[%dma_wait3A_35, %dma_wait3A_36] : memref<2000000x64xf32, #tpu.memory_space<hbm>> -> memref<2000000x64xf32, #tpu.memory_space<hbm>>
    tpu.wait_indirect_dma semaphore(%arg9 : memref<!tpu.dma_semaphore, #tpu.memory_space<semaphore_mem>>) src(%dma_wait3A_37 : memref<2000000x64xf32, #tpu.memory_space<hbm>>) dst(%arg7 : memref<640x64xf32, #tpu.memory_space<vmem>>)
    %add3A_38 = arith.constant 640 : i32
    %add3A_39 = arith.addi %mul3A_2, %add3A_38 : i32
    %dma_start3A_40 = arith.constant 0 : i32
    %dma_start3A_41 = tpu.memref_slice %arg4[%add3A_39, %dma_start3A_40] : memref<327680x128xf32, #tpu.memory_space<hbm>> -> memref<640x64xf32, #tpu.memory_space<hbm>>
    %dma_start3A_42 = arith.constant 0 : i32
    %dma_start3A_43 = tpu.memref_slice %arg4[%add3A_39, %dma_start3A_42] : memref<327680x128xf32, #tpu.memory_space<hbm>> -> memref<640x64xf32, #tpu.memory_space<hbm>>
    tpu.enqueue_dma source(%arg7 : memref<640x64xf32, #tpu.memory_space<vmem>>) target(%dma_start3A_43 : memref<640x64xf32, #tpu.memory_space<hbm>>) target_semaphore(%arg11 : memref<!tpu.dma_semaphore, #tpu.memory_space<semaphore_mem>>)
    %add3A_44 = arith.constant 640 : i32
    %add3A_45 = arith.addi %mul3A_2, %add3A_44 : i32
    %dma_wait3A_46 = arith.constant 0 : i32
    %dma_wait3A_47 = tpu.memref_slice %arg4[%add3A_45, %dma_wait3A_46] : memref<327680x128xf32, #tpu.memory_space<hbm>> -> memref<640x64xf32, #tpu.memory_space<hbm>>
    %dma_wait3A_48 = arith.constant 0 : i32
    %dma_wait3A_49 = tpu.memref_slice %arg4[%add3A_45, %dma_wait3A_48] : memref<327680x128xf32, #tpu.memory_space<hbm>> -> memref<640x64xf32, #tpu.memory_space<hbm>>
    tpu.wait_dma2 semaphore(%arg11 : memref<!tpu.dma_semaphore, #tpu.memory_space<semaphore_mem>>) src(%arg7 : memref<640x64xf32, #tpu.memory_space<vmem>>) dst(%dma_wait3A_49 : memref<640x64xf32, #tpu.memory_space<hbm>>)
    %dma_start3A_50 = arith.constant 1920 : i32
    %dma_start3A_51 = tpu.memref_slice %arg5[%dma_start3A_50] : memref<10240xi32, #tpu.memory_space<vmem>> -> memref<640xi32, #tpu.memory_space<vmem>>
    %dma_start3A_52 = arith.constant 0 : i32
    %dma_start3A_53 = arith.constant 0 : i32
    %dma_start3A_54 = tpu.memref_slice %arg3[%dma_start3A_52, %dma_start3A_53] : memref<2000000x64xf32, #tpu.memory_space<hbm>> -> memref<2000000x64xf32, #tpu.memory_space<hbm>>
    tpu.enqueue_indirect_dma source(%dma_start3A_54 : memref<2000000x64xf32, #tpu.memory_space<hbm>>) target(%arg7 : memref<640x64xf32, #tpu.memory_space<vmem>>) offsets(%dma_start3A_51 : memref<640xi32, #tpu.memory_space<vmem>>) semaphore(%arg9 : memref<!tpu.dma_semaphore, #tpu.memory_space<semaphore_mem>>)
    %dma_wait3A_55 = arith.constant 1280 : i32
    %dma_wait3A_56 = tpu.memref_slice %arg5[%dma_wait3A_55] : memref<10240xi32, #tpu.memory_space<vmem>> -> memref<640xi32, #tpu.memory_space<vmem>>
    %dma_wait3A_57 = arith.constant 0 : i32
    %dma_wait3A_58 = arith.constant 0 : i32
    %dma_wait3A_59 = tpu.memref_slice %arg3[%dma_wait3A_57, %dma_wait3A_58] : memref<2000000x64xf32, #tpu.memory_space<hbm>> -> memref<2000000x64xf32, #tpu.memory_space<hbm>>
    tpu.wait_indirect_dma semaphore(%arg8 : memref<!tpu.dma_semaphore, #tpu.memory_space<semaphore_mem>>) src(%dma_wait3A_59 : memref<2000000x64xf32, #tpu.memory_space<hbm>>) dst(%arg6 : memref<640x64xf32, #tpu.memory_space<vmem>>)
    %add3A_60 = arith.constant 1280 : i32
    %add3A_61 = arith.addi %mul3A_2, %add3A_60 : i32
    %dma_start3A_62 = arith.constant 0 : i32
    %dma_start3A_63 = tpu.memref_slice %arg4[%add3A_61, %dma_start3A_62] : memref<327680x128xf32, #tpu.memory_space<hbm>> -> memref<640x64xf32, #tpu.memory_space<hbm>>
    %dma_start3A_64 = arith.constant 0 : i32
    %dma_start3A_65 = tpu.memref_slice %arg4[%add3A_61, %dma_start3A_64] : memref<327680x128xf32, #tpu.memory_space<hbm>> -> memref<640x64xf32, #tpu.memory_space<hbm>>
    tpu.enqueue_dma source(%arg6 : memref<640x64xf32, #tpu.memory_space<vmem>>) target(%dma_start3A_65 : memref<640x64xf32, #tpu.memory_space<hbm>>) target_semaphore(%arg10 : memref<!tpu.dma_semaphore, #tpu.memory_space<semaphore_mem>>)
    %add3A_66 = arith.constant 1280 : i32
    %add3A_67 = arith.addi %mul3A_2, %add3A_66 : i32
    %dma_wait3A_68 = arith.constant 0 : i32
    %dma_wait3A_69 = tpu.memref_slice %arg4[%add3A_67, %dma_wait3A_68] : memref<327680x128xf32, #tpu.memory_space<hbm>> -> memref<640x64xf32, #tpu.memory_space<hbm>>
    %dma_wait3A_70 = arith.constant 0 : i32
    %dma_wait3A_71 = tpu.memref_slice %arg4[%add3A_67, %dma_wait3A_70] : memref<327680x128xf32, #tpu.memory_space<hbm>> -> memref<640x64xf32, #tpu.memory_space<hbm>>
    tpu.wait_dma2 semaphore(%arg10 : memref<!tpu.dma_semaphore, #tpu.memory_space<semaphore_mem>>) src(%arg6 : memref<640x64xf32, #tpu.memory_space<vmem>>) dst(%dma_wait3A_71 : memref<640x64xf32, #tpu.memory_space<hbm>>)
    %dma_start3A_72 = arith.constant 2560 : i32
    %dma_start3A_73 = tpu.memref_slice %arg5[%dma_start3A_72] : memref<10240xi32, #tpu.memory_space<vmem>> -> memref<640xi32, #tpu.memory_space<vmem>>
    %dma_start3A_74 = arith.constant 0 : i32
    %dma_start3A_75 = arith.constant 0 : i32
    %dma_start3A_76 = tpu.memref_slice %arg3[%dma_start3A_74, %dma_start3A_75] : memref<2000000x64xf32, #tpu.memory_space<hbm>> -> memref<2000000x64xf32, #tpu.memory_space<hbm>>
    tpu.enqueue_indirect_dma source(%dma_start3A_76 : memref<2000000x64xf32, #tpu.memory_space<hbm>>) target(%arg6 : memref<640x64xf32, #tpu.memory_space<vmem>>) offsets(%dma_start3A_73 : memref<640xi32, #tpu.memory_space<vmem>>) semaphore(%arg8 : memref<!tpu.dma_semaphore, #tpu.memory_space<semaphore_mem>>)
    %dma_wait3A_77 = arith.constant 1920 : i32
    %dma_wait3A_78 = tpu.memref_slice %arg5[%dma_wait3A_77] : memref<10240xi32, #tpu.memory_space<vmem>> -> memref<640xi32, #tpu.memory_space<vmem>>
    %dma_wait3A_79 = arith.constant 0 : i32
    %dma_wait3A_80 = arith.constant 0 : i32
    %dma_wait3A_81 = tpu.memref_slice %arg3[%dma_wait3A_79, %dma_wait3A_80] : memref<2000000x64xf32, #tpu.memory_space<hbm>> -> memref<2000000x64xf32, #tpu.memory_space<hbm>>
    tpu.wait_indirect_dma semaphore(%arg9 : memref<!tpu.dma_semaphore, #tpu.memory_space<semaphore_mem>>) src(%dma_wait3A_81 : memref<2000000x64xf32, #tpu.memory_space<hbm>>) dst(%arg7 : memref<640x64xf32, #tpu.memory_space<vmem>>)
    %add3A_82 = arith.constant 1920 : i32
    %add3A_83 = arith.addi %mul3A_2, %add3A_82 : i32
    %dma_start3A_84 = arith.constant 0 : i32
    %dma_start3A_85 = tpu.memref_slice %arg4[%add3A_83, %dma_start3A_84] : memref<327680x128xf32, #tpu.memory_space<hbm>> -> memref<640x64xf32, #tpu.memory_space<hbm>>
    %dma_start3A_86 = arith.constant 0 : i32
    %dma_start3A_87 = tpu.memref_slice %arg4[%add3A_83, %dma_start3A_86] : memref<327680x128xf32, #tpu.memory_space<hbm>> -> memref<640x64xf32, #tpu.memory_space<hbm>>
    tpu.enqueue_dma source(%arg7 : memref<640x64xf32, #tpu.memory_space<vmem>>) target(%dma_start3A_87 : memref<640x64xf32, #tpu.memory_space<hbm>>) target_semaphore(%arg11 : memref<!tpu.dma_semaphore, #tpu.memory_space<semaphore_mem>>)
    %add3A_88 = arith.constant 1920 : i32
    %add3A_89 = arith.addi %mul3A_2, %add3A_88 : i32
    %dma_wait3A_90 = arith.constant 0 : i32
    %dma_wait3A_91 = tpu.memref_slice %arg4[%add3A_89, %dma_wait3A_90] : memref<327680x128xf32, #tpu.memory_space<hbm>> -> memref<640x64xf32, #tpu.memory_space<hbm>>
    %dma_wait3A_92 = arith.constant 0 : i32
    %dma_wait3A_93 = tpu.memref_slice %arg4[%add3A_89, %dma_wait3A_92] : memref<327680x128xf32, #tpu.memory_space<hbm>> -> memref<640x64xf32, #tpu.memory_space<hbm>>
    tpu.wait_dma2 semaphore(%arg11 : memref<!tpu.dma_semaphore, #tpu.memory_space<semaphore_mem>>) src(%arg7 : memref<640x64xf32, #tpu.memory_space<vmem>>) dst(%dma_wait3A_93 : memref<640x64xf32, #tpu.memory_space<hbm>>)
    %dma_start3A_94 = arith.constant 3200 : i32
    %dma_start3A_95 = tpu.memref_slice %arg5[%dma_start3A_94] : memref<10240xi32, #tpu.memory_space<vmem>> -> memref<640xi32, #tpu.memory_space<vmem>>
    %dma_start3A_96 = arith.constant 0 : i32
    %dma_start3A_97 = arith.constant 0 : i32
    %dma_start3A_98 = tpu.memref_slice %arg3[%dma_start3A_96, %dma_start3A_97] : memref<2000000x64xf32, #tpu.memory_space<hbm>> -> memref<2000000x64xf32, #tpu.memory_space<hbm>>
    tpu.enqueue_indirect_dma source(%dma_start3A_98 : memref<2000000x64xf32, #tpu.memory_space<hbm>>) target(%arg7 : memref<640x64xf32, #tpu.memory_space<vmem>>) offsets(%dma_start3A_95 : memref<640xi32, #tpu.memory_space<vmem>>) semaphore(%arg9 : memref<!tpu.dma_semaphore, #tpu.memory_space<semaphore_mem>>)
    %dma_wait3A_99 = arith.constant 2560 : i32
    %dma_wait3A_100 = tpu.memref_slice %arg5[%dma_wait3A_99] : memref<10240xi32, #tpu.memory_space<vmem>> -> memref<640xi32, #tpu.memory_space<vmem>>
    %dma_wait3A_101 = arith.constant 0 : i32
    %dma_wait3A_102 = arith.constant 0 : i32
    %dma_wait3A_103 = tpu.memref_slice %arg3[%dma_wait3A_101, %dma_wait3A_102] : memref<2000000x64xf32, #tpu.memory_space<hbm>> -> memref<2000000x64xf32, #tpu.memory_space<hbm>>
    tpu.wait_indirect_dma semaphore(%arg8 : memref<!tpu.dma_semaphore, #tpu.memory_space<semaphore_mem>>) src(%dma_wait3A_103 : memref<2000000x64xf32, #tpu.memory_space<hbm>>) dst(%arg6 : memref<640x64xf32, #tpu.memory_space<vmem>>)
    %add3A_104 = arith.constant 2560 : i32
    %add3A_105 = arith.addi %mul3A_2, %add3A_104 : i32
    %dma_start3A_106 = arith.constant 0 : i32
    %dma_start3A_107 = tpu.memref_slice %arg4[%add3A_105, %dma_start3A_106] : memref<327680x128xf32, #tpu.memory_space<hbm>> -> memref<640x64xf32, #tpu.memory_space<hbm>>
    %dma_start3A_108 = arith.constant 0 : i32
    %dma_start3A_109 = tpu.memref_slice %arg4[%add3A_105, %dma_start3A_108] : memref<327680x128xf32, #tpu.memory_space<hbm>> -> memref<640x64xf32, #tpu.memory_space<hbm>>
    tpu.enqueue_dma source(%arg6 : memref<640x64xf32, #tpu.memory_space<vmem>>) target(%dma_start3A_109 : memref<640x64xf32, #tpu.memory_space<hbm>>) target_semaphore(%arg10 : memref<!tpu.dma_semaphore, #tpu.memory_space<semaphore_mem>>)
    %add3A_110 = arith.constant 2560 : i32
    %add3A_111 = arith.addi %mul3A_2, %add3A_110 : i32
    %dma_wait3A_112 = arith.constant 0 : i32
    %dma_wait3A_113 = tpu.memref_slice %arg4[%add3A_111, %dma_wait3A_112] : memref<327680x128xf32, #tpu.memory_space<hbm>> -> memref<640x64xf32, #tpu.memory_space<hbm>>
    %dma_wait3A_114 = arith.constant 0 : i32
    %dma_wait3A_115 = tpu.memref_slice %arg4[%add3A_111, %dma_wait3A_114] : memref<327680x128xf32, #tpu.memory_space<hbm>> -> memref<640x64xf32, #tpu.memory_space<hbm>>
    tpu.wait_dma2 semaphore(%arg10 : memref<!tpu.dma_semaphore, #tpu.memory_space<semaphore_mem>>) src(%arg6 : memref<640x64xf32, #tpu.memory_space<vmem>>) dst(%dma_wait3A_115 : memref<640x64xf32, #tpu.memory_space<hbm>>)
    %dma_start3A_116 = arith.constant 3840 : i32
    %dma_start3A_117 = tpu.memref_slice %arg5[%dma_start3A_116] : memref<10240xi32, #tpu.memory_space<vmem>> -> memref<640xi32, #tpu.memory_space<vmem>>
    %dma_start3A_118 = arith.constant 0 : i32
    %dma_start3A_119 = arith.constant 0 : i32
    %dma_start3A_120 = tpu.memref_slice %arg3[%dma_start3A_118, %dma_start3A_119] : memref<2000000x64xf32, #tpu.memory_space<hbm>> -> memref<2000000x64xf32, #tpu.memory_space<hbm>>
    tpu.enqueue_indirect_dma source(%dma_start3A_120 : memref<2000000x64xf32, #tpu.memory_space<hbm>>) target(%arg6 : memref<640x64xf32, #tpu.memory_space<vmem>>) offsets(%dma_start3A_117 : memref<640xi32, #tpu.memory_space<vmem>>) semaphore(%arg8 : memref<!tpu.dma_semaphore, #tpu.memory_space<semaphore_mem>>)
    %dma_wait3A_121 = arith.constant 3200 : i32
    %dma_wait3A_122 = tpu.memref_slice %arg5[%dma_wait3A_121] : memref<10240xi32, #tpu.memory_space<vmem>> -> memref<640xi32, #tpu.memory_space<vmem>>
    %dma_wait3A_123 = arith.constant 0 : i32
    %dma_wait3A_124 = arith.constant 0 : i32
    %dma_wait3A_125 = tpu.memref_slice %arg3[%dma_wait3A_123, %dma_wait3A_124] : memref<2000000x64xf32, #tpu.memory_space<hbm>> -> memref<2000000x64xf32, #tpu.memory_space<hbm>>
    tpu.wait_indirect_dma semaphore(%arg9 : memref<!tpu.dma_semaphore, #tpu.memory_space<semaphore_mem>>) src(%dma_wait3A_125 : memref<2000000x64xf32, #tpu.memory_space<hbm>>) dst(%arg7 : memref<640x64xf32, #tpu.memory_space<vmem>>)
    %add3A_126 = arith.constant 3200 : i32
    %add3A_127 = arith.addi %mul3A_2, %add3A_126 : i32
    %dma_start3A_128 = arith.constant 0 : i32
    %dma_start3A_129 = tpu.memref_slice %arg4[%add3A_127, %dma_start3A_128] : memref<327680x128xf32, #tpu.memory_space<hbm>> -> memref<640x64xf32, #tpu.memory_space<hbm>>
    %dma_start3A_130 = arith.constant 0 : i32
    %dma_start3A_131 = tpu.memref_slice %arg4[%add3A_127, %dma_start3A_130] : memref<327680x128xf32, #tpu.memory_space<hbm>> -> memref<640x64xf32, #tpu.memory_space<hbm>>
    tpu.enqueue_dma source(%arg7 : memref<640x64xf32, #tpu.memory_space<vmem>>) target(%dma_start3A_131 : memref<640x64xf32, #tpu.memory_space<hbm>>) target_semaphore(%arg11 : memref<!tpu.dma_semaphore, #tpu.memory_space<semaphore_mem>>)
    %add3A_132 = arith.constant 3200 : i32
    %add3A_133 = arith.addi %mul3A_2, %add3A_132 : i32
    %dma_wait3A_134 = arith.constant 0 : i32
    %dma_wait3A_135 = tpu.memref_slice %arg4[%add3A_133, %dma_wait3A_134] : memref<327680x128xf32, #tpu.memory_space<hbm>> -> memref<640x64xf32, #tpu.memory_space<hbm>>
    %dma_wait3A_136 = arith.constant 0 : i32
    %dma_wait3A_137 = tpu.memref_slice %arg4[%add3A_133, %dma_wait3A_136] : memref<327680x128xf32, #tpu.memory_space<hbm>> -> memref<640x64xf32, #tpu.memory_space<hbm>>
    tpu.wait_dma2 semaphore(%arg11 : memref<!tpu.dma_semaphore, #tpu.memory_space<semaphore_mem>>) src(%arg7 : memref<640x64xf32, #tpu.memory_space<vmem>>) dst(%dma_wait3A_137 : memref<640x64xf32, #tpu.memory_space<hbm>>)
    %dma_start3A_138 = arith.constant 4480 : i32
    %dma_start3A_139 = tpu.memref_slice %arg5[%dma_start3A_138] : memref<10240xi32, #tpu.memory_space<vmem>> -> memref<640xi32, #tpu.memory_space<vmem>>
    %dma_start3A_140 = arith.constant 0 : i32
    %dma_start3A_141 = arith.constant 0 : i32
    %dma_start3A_142 = tpu.memref_slice %arg3[%dma_start3A_140, %dma_start3A_141] : memref<2000000x64xf32, #tpu.memory_space<hbm>> -> memref<2000000x64xf32, #tpu.memory_space<hbm>>
    tpu.enqueue_indirect_dma source(%dma_start3A_142 : memref<2000000x64xf32, #tpu.memory_space<hbm>>) target(%arg7 : memref<640x64xf32, #tpu.memory_space<vmem>>) offsets(%dma_start3A_139 : memref<640xi32, #tpu.memory_space<vmem>>) semaphore(%arg9 : memref<!tpu.dma_semaphore, #tpu.memory_space<semaphore_mem>>)
    %dma_wait3A_143 = arith.constant 3840 : i32
    %dma_wait3A_144 = tpu.memref_slice %arg5[%dma_wait3A_143] : memref<10240xi32, #tpu.memory_space<vmem>> -> memref<640xi32, #tpu.memory_space<vmem>>
    %dma_wait3A_145 = arith.constant 0 : i32
    %dma_wait3A_146 = arith.constant 0 : i32
    %dma_wait3A_147 = tpu.memref_slice %arg3[%dma_wait3A_145, %dma_wait3A_146] : memref<2000000x64xf32, #tpu.memory_space<hbm>> -> memref<2000000x64xf32, #tpu.memory_space<hbm>>
    tpu.wait_indirect_dma semaphore(%arg8 : memref<!tpu.dma_semaphore, #tpu.memory_space<semaphore_mem>>) src(%dma_wait3A_147 : memref<2000000x64xf32, #tpu.memory_space<hbm>>) dst(%arg6 : memref<640x64xf32, #tpu.memory_space<vmem>>)
    %add3A_148 = arith.constant 3840 : i32
    %add3A_149 = arith.addi %mul3A_2, %add3A_148 : i32
    %dma_start3A_150 = arith.constant 0 : i32
    %dma_start3A_151 = tpu.memref_slice %arg4[%add3A_149, %dma_start3A_150] : memref<327680x128xf32, #tpu.memory_space<hbm>> -> memref<640x64xf32, #tpu.memory_space<hbm>>
    %dma_start3A_152 = arith.constant 0 : i32
    %dma_start3A_153 = tpu.memref_slice %arg4[%add3A_149, %dma_start3A_152] : memref<327680x128xf32, #tpu.memory_space<hbm>> -> memref<640x64xf32, #tpu.memory_space<hbm>>
    tpu.enqueue_dma source(%arg6 : memref<640x64xf32, #tpu.memory_space<vmem>>) target(%dma_start3A_153 : memref<640x64xf32, #tpu.memory_space<hbm>>) target_semaphore(%arg10 : memref<!tpu.dma_semaphore, #tpu.memory_space<semaphore_mem>>)
    %add3A_154 = arith.constant 3840 : i32
    %add3A_155 = arith.addi %mul3A_2, %add3A_154 : i32
    %dma_wait3A_156 = arith.constant 0 : i32
    %dma_wait3A_157 = tpu.memref_slice %arg4[%add3A_155, %dma_wait3A_156] : memref<327680x128xf32, #tpu.memory_space<hbm>> -> memref<640x64xf32, #tpu.memory_space<hbm>>
    %dma_wait3A_158 = arith.constant 0 : i32
    %dma_wait3A_159 = tpu.memref_slice %arg4[%add3A_155, %dma_wait3A_158] : memref<327680x128xf32, #tpu.memory_space<hbm>> -> memref<640x64xf32, #tpu.memory_space<hbm>>
    tpu.wait_dma2 semaphore(%arg10 : memref<!tpu.dma_semaphore, #tpu.memory_space<semaphore_mem>>) src(%arg6 : memref<640x64xf32, #tpu.memory_space<vmem>>) dst(%dma_wait3A_159 : memref<640x64xf32, #tpu.memory_space<hbm>>)
    %dma_start3A_160 = arith.constant 5120 : i32
    %dma_start3A_161 = tpu.memref_slice %arg5[%dma_start3A_160] : memref<10240xi32, #tpu.memory_space<vmem>> -> memref<640xi32, #tpu.memory_space<vmem>>
    %dma_start3A_162 = arith.constant 0 : i32
    %dma_start3A_163 = arith.constant 0 : i32
    %dma_start3A_164 = tpu.memref_slice %arg3[%dma_start3A_162, %dma_start3A_163] : memref<2000000x64xf32, #tpu.memory_space<hbm>> -> memref<2000000x64xf32, #tpu.memory_space<hbm>>
    tpu.enqueue_indirect_dma source(%dma_start3A_164 : memref<2000000x64xf32, #tpu.memory_space<hbm>>) target(%arg6 : memref<640x64xf32, #tpu.memory_space<vmem>>) offsets(%dma_start3A_161 : memref<640xi32, #tpu.memory_space<vmem>>) semaphore(%arg8 : memref<!tpu.dma_semaphore, #tpu.memory_space<semaphore_mem>>)
    %dma_wait3A_165 = arith.constant 4480 : i32
    %dma_wait3A_166 = tpu.memref_slice %arg5[%dma_wait3A_165] : memref<10240xi32, #tpu.memory_space<vmem>> -> memref<640xi32, #tpu.memory_space<vmem>>
    %dma_wait3A_167 = arith.constant 0 : i32
    %dma_wait3A_168 = arith.constant 0 : i32
    %dma_wait3A_169 = tpu.memref_slice %arg3[%dma_wait3A_167, %dma_wait3A_168] : memref<2000000x64xf32, #tpu.memory_space<hbm>> -> memref<2000000x64xf32, #tpu.memory_space<hbm>>
    tpu.wait_indirect_dma semaphore(%arg9 : memref<!tpu.dma_semaphore, #tpu.memory_space<semaphore_mem>>) src(%dma_wait3A_169 : memref<2000000x64xf32, #tpu.memory_space<hbm>>) dst(%arg7 : memref<640x64xf32, #tpu.memory_space<vmem>>)
    %add3A_170 = arith.constant 4480 : i32
    %add3A_171 = arith.addi %mul3A_2, %add3A_170 : i32
    %dma_start3A_172 = arith.constant 0 : i32
    %dma_start3A_173 = tpu.memref_slice %arg4[%add3A_171, %dma_start3A_172] : memref<327680x128xf32, #tpu.memory_space<hbm>> -> memref<640x64xf32, #tpu.memory_space<hbm>>
    %dma_start3A_174 = arith.constant 0 : i32
    %dma_start3A_175 = tpu.memref_slice %arg4[%add3A_171, %dma_start3A_174] : memref<327680x128xf32, #tpu.memory_space<hbm>> -> memref<640x64xf32, #tpu.memory_space<hbm>>
    tpu.enqueue_dma source(%arg7 : memref<640x64xf32, #tpu.memory_space<vmem>>) target(%dma_start3A_175 : memref<640x64xf32, #tpu.memory_space<hbm>>) target_semaphore(%arg11 : memref<!tpu.dma_semaphore, #tpu.memory_space<semaphore_mem>>)
    %add3A_176 = arith.constant 4480 : i32
    %add3A_177 = arith.addi %mul3A_2, %add3A_176 : i32
    %dma_wait3A_178 = arith.constant 0 : i32
    %dma_wait3A_179 = tpu.memref_slice %arg4[%add3A_177, %dma_wait3A_178] : memref<327680x128xf32, #tpu.memory_space<hbm>> -> memref<640x64xf32, #tpu.memory_space<hbm>>
    %dma_wait3A_180 = arith.constant 0 : i32
    %dma_wait3A_181 = tpu.memref_slice %arg4[%add3A_177, %dma_wait3A_180] : memref<327680x128xf32, #tpu.memory_space<hbm>> -> memref<640x64xf32, #tpu.memory_space<hbm>>
    tpu.wait_dma2 semaphore(%arg11 : memref<!tpu.dma_semaphore, #tpu.memory_space<semaphore_mem>>) src(%arg7 : memref<640x64xf32, #tpu.memory_space<vmem>>) dst(%dma_wait3A_181 : memref<640x64xf32, #tpu.memory_space<hbm>>)
    %dma_start3A_182 = arith.constant 5760 : i32
    %dma_start3A_183 = tpu.memref_slice %arg5[%dma_start3A_182] : memref<10240xi32, #tpu.memory_space<vmem>> -> memref<640xi32, #tpu.memory_space<vmem>>
    %dma_start3A_184 = arith.constant 0 : i32
    %dma_start3A_185 = arith.constant 0 : i32
    %dma_start3A_186 = tpu.memref_slice %arg3[%dma_start3A_184, %dma_start3A_185] : memref<2000000x64xf32, #tpu.memory_space<hbm>> -> memref<2000000x64xf32, #tpu.memory_space<hbm>>
    tpu.enqueue_indirect_dma source(%dma_start3A_186 : memref<2000000x64xf32, #tpu.memory_space<hbm>>) target(%arg7 : memref<640x64xf32, #tpu.memory_space<vmem>>) offsets(%dma_start3A_183 : memref<640xi32, #tpu.memory_space<vmem>>) semaphore(%arg9 : memref<!tpu.dma_semaphore, #tpu.memory_space<semaphore_mem>>)
    %dma_wait3A_187 = arith.constant 5120 : i32
    %dma_wait3A_188 = tpu.memref_slice %arg5[%dma_wait3A_187] : memref<10240xi32, #tpu.memory_space<vmem>> -> memref<640xi32, #tpu.memory_space<vmem>>
    %dma_wait3A_189 = arith.constant 0 : i32
    %dma_wait3A_190 = arith.constant 0 : i32
    %dma_wait3A_191 = tpu.memref_slice %arg3[%dma_wait3A_189, %dma_wait3A_190] : memref<2000000x64xf32, #tpu.memory_space<hbm>> -> memref<2000000x64xf32, #tpu.memory_space<hbm>>
    tpu.wait_indirect_dma semaphore(%arg8 : memref<!tpu.dma_semaphore, #tpu.memory_space<semaphore_mem>>) src(%dma_wait3A_191 : memref<2000000x64xf32, #tpu.memory_space<hbm>>) dst(%arg6 : memref<640x64xf32, #tpu.memory_space<vmem>>)
    %add3A_192 = arith.constant 5120 : i32
    %add3A_193 = arith.addi %mul3A_2, %add3A_192 : i32
    %dma_start3A_194 = arith.constant 0 : i32
    %dma_start3A_195 = tpu.memref_slice %arg4[%add3A_193, %dma_start3A_194] : memref<327680x128xf32, #tpu.memory_space<hbm>> -> memref<640x64xf32, #tpu.memory_space<hbm>>
    %dma_start3A_196 = arith.constant 0 : i32
    %dma_start3A_197 = tpu.memref_slice %arg4[%add3A_193, %dma_start3A_196] : memref<327680x128xf32, #tpu.memory_space<hbm>> -> memref<640x64xf32, #tpu.memory_space<hbm>>
    tpu.enqueue_dma source(%arg6 : memref<640x64xf32, #tpu.memory_space<vmem>>) target(%dma_start3A_197 : memref<640x64xf32, #tpu.memory_space<hbm>>) target_semaphore(%arg10 : memref<!tpu.dma_semaphore, #tpu.memory_space<semaphore_mem>>)
    %add3A_198 = arith.constant 5120 : i32
    %add3A_199 = arith.addi %mul3A_2, %add3A_198 : i32
    %dma_wait3A_200 = arith.constant 0 : i32
    %dma_wait3A_201 = tpu.memref_slice %arg4[%add3A_199, %dma_wait3A_200] : memref<327680x128xf32, #tpu.memory_space<hbm>> -> memref<640x64xf32, #tpu.memory_space<hbm>>
    %dma_wait3A_202 = arith.constant 0 : i32
    %dma_wait3A_203 = tpu.memref_slice %arg4[%add3A_199, %dma_wait3A_202] : memref<327680x128xf32, #tpu.memory_space<hbm>> -> memref<640x64xf32, #tpu.memory_space<hbm>>
    tpu.wait_dma2 semaphore(%arg10 : memref<!tpu.dma_semaphore, #tpu.memory_space<semaphore_mem>>) src(%arg6 : memref<640x64xf32, #tpu.memory_space<vmem>>) dst(%dma_wait3A_203 : memref<640x64xf32, #tpu.memory_space<hbm>>)
    %dma_start3A_204 = arith.constant 6400 : i32
    %dma_start3A_205 = tpu.memref_slice %arg5[%dma_start3A_204] : memref<10240xi32, #tpu.memory_space<vmem>> -> memref<640xi32, #tpu.memory_space<vmem>>
    %dma_start3A_206 = arith.constant 0 : i32
    %dma_start3A_207 = arith.constant 0 : i32
    %dma_start3A_208 = tpu.memref_slice %arg3[%dma_start3A_206, %dma_start3A_207] : memref<2000000x64xf32, #tpu.memory_space<hbm>> -> memref<2000000x64xf32, #tpu.memory_space<hbm>>
    tpu.enqueue_indirect_dma source(%dma_start3A_208 : memref<2000000x64xf32, #tpu.memory_space<hbm>>) target(%arg6 : memref<640x64xf32, #tpu.memory_space<vmem>>) offsets(%dma_start3A_205 : memref<640xi32, #tpu.memory_space<vmem>>) semaphore(%arg8 : memref<!tpu.dma_semaphore, #tpu.memory_space<semaphore_mem>>)
    %dma_wait3A_209 = arith.constant 5760 : i32
    %dma_wait3A_210 = tpu.memref_slice %arg5[%dma_wait3A_209] : memref<10240xi32, #tpu.memory_space<vmem>> -> memref<640xi32, #tpu.memory_space<vmem>>
    %dma_wait3A_211 = arith.constant 0 : i32
    %dma_wait3A_212 = arith.constant 0 : i32
    %dma_wait3A_213 = tpu.memref_slice %arg3[%dma_wait3A_211, %dma_wait3A_212] : memref<2000000x64xf32, #tpu.memory_space<hbm>> -> memref<2000000x64xf32, #tpu.memory_space<hbm>>
    tpu.wait_indirect_dma semaphore(%arg9 : memref<!tpu.dma_semaphore, #tpu.memory_space<semaphore_mem>>) src(%dma_wait3A_213 : memref<2000000x64xf32, #tpu.memory_space<hbm>>) dst(%arg7 : memref<640x64xf32, #tpu.memory_space<vmem>>)
    %add3A_214 = arith.constant 5760 : i32
    %add3A_215 = arith.addi %mul3A_2, %add3A_214 : i32
    %dma_start3A_216 = arith.constant 0 : i32
    %dma_start3A_217 = tpu.memref_slice %arg4[%add3A_215, %dma_start3A_216] : memref<327680x128xf32, #tpu.memory_space<hbm>> -> memref<640x64xf32, #tpu.memory_space<hbm>>
    %dma_start3A_218 = arith.constant 0 : i32
    %dma_start3A_219 = tpu.memref_slice %arg4[%add3A_215, %dma_start3A_218] : memref<327680x128xf32, #tpu.memory_space<hbm>> -> memref<640x64xf32, #tpu.memory_space<hbm>>
    tpu.enqueue_dma source(%arg7 : memref<640x64xf32, #tpu.memory_space<vmem>>) target(%dma_start3A_219 : memref<640x64xf32, #tpu.memory_space<hbm>>) target_semaphore(%arg11 : memref<!tpu.dma_semaphore, #tpu.memory_space<semaphore_mem>>)
    %add3A_220 = arith.constant 5760 : i32
    %add3A_221 = arith.addi %mul3A_2, %add3A_220 : i32
    %dma_wait3A_222 = arith.constant 0 : i32
    %dma_wait3A_223 = tpu.memref_slice %arg4[%add3A_221, %dma_wait3A_222] : memref<327680x128xf32, #tpu.memory_space<hbm>> -> memref<640x64xf32, #tpu.memory_space<hbm>>
    %dma_wait3A_224 = arith.constant 0 : i32
    %dma_wait3A_225 = tpu.memref_slice %arg4[%add3A_221, %dma_wait3A_224] : memref<327680x128xf32, #tpu.memory_space<hbm>> -> memref<640x64xf32, #tpu.memory_space<hbm>>
    tpu.wait_dma2 semaphore(%arg11 : memref<!tpu.dma_semaphore, #tpu.memory_space<semaphore_mem>>) src(%arg7 : memref<640x64xf32, #tpu.memory_space<vmem>>) dst(%dma_wait3A_225 : memref<640x64xf32, #tpu.memory_space<hbm>>)
    %dma_start3A_226 = arith.constant 7040 : i32
    %dma_start3A_227 = tpu.memref_slice %arg5[%dma_start3A_226] : memref<10240xi32, #tpu.memory_space<vmem>> -> memref<640xi32, #tpu.memory_space<vmem>>
    %dma_start3A_228 = arith.constant 0 : i32
    %dma_start3A_229 = arith.constant 0 : i32
    %dma_start3A_230 = tpu.memref_slice %arg3[%dma_start3A_228, %dma_start3A_229] : memref<2000000x64xf32, #tpu.memory_space<hbm>> -> memref<2000000x64xf32, #tpu.memory_space<hbm>>
    tpu.enqueue_indirect_dma source(%dma_start3A_230 : memref<2000000x64xf32, #tpu.memory_space<hbm>>) target(%arg7 : memref<640x64xf32, #tpu.memory_space<vmem>>) offsets(%dma_start3A_227 : memref<640xi32, #tpu.memory_space<vmem>>) semaphore(%arg9 : memref<!tpu.dma_semaphore, #tpu.memory_space<semaphore_mem>>)
    %dma_wait3A_231 = arith.constant 6400 : i32
    %dma_wait3A_232 = tpu.memref_slice %arg5[%dma_wait3A_231] : memref<10240xi32, #tpu.memory_space<vmem>> -> memref<640xi32, #tpu.memory_space<vmem>>
    %dma_wait3A_233 = arith.constant 0 : i32
    %dma_wait3A_234 = arith.constant 0 : i32
    %dma_wait3A_235 = tpu.memref_slice %arg3[%dma_wait3A_233, %dma_wait3A_234] : memref<2000000x64xf32, #tpu.memory_space<hbm>> -> memref<2000000x64xf32, #tpu.memory_space<hbm>>
    tpu.wait_indirect_dma semaphore(%arg8 : memref<!tpu.dma_semaphore, #tpu.memory_space<semaphore_mem>>) src(%dma_wait3A_235 : memref<2000000x64xf32, #tpu.memory_space<hbm>>) dst(%arg6 : memref<640x64xf32, #tpu.memory_space<vmem>>)
    %add3A_236 = arith.constant 6400 : i32
    %add3A_237 = arith.addi %mul3A_2, %add3A_236 : i32
    %dma_start3A_238 = arith.constant 0 : i32
    %dma_start3A_239 = tpu.memref_slice %arg4[%add3A_237, %dma_start3A_238] : memref<327680x128xf32, #tpu.memory_space<hbm>> -> memref<640x64xf32, #tpu.memory_space<hbm>>
    %dma_start3A_240 = arith.constant 0 : i32
    %dma_start3A_241 = tpu.memref_slice %arg4[%add3A_237, %dma_start3A_240] : memref<327680x128xf32, #tpu.memory_space<hbm>> -> memref<640x64xf32, #tpu.memory_space<hbm>>
    tpu.enqueue_dma source(%arg6 : memref<640x64xf32, #tpu.memory_space<vmem>>) target(%dma_start3A_241 : memref<640x64xf32, #tpu.memory_space<hbm>>) target_semaphore(%arg10 : memref<!tpu.dma_semaphore, #tpu.memory_space<semaphore_mem>>)
    %add3A_242 = arith.constant 6400 : i32
    %add3A_243 = arith.addi %mul3A_2, %add3A_242 : i32
    %dma_wait3A_244 = arith.constant 0 : i32
    %dma_wait3A_245 = tpu.memref_slice %arg4[%add3A_243, %dma_wait3A_244] : memref<327680x128xf32, #tpu.memory_space<hbm>> -> memref<640x64xf32, #tpu.memory_space<hbm>>
    %dma_wait3A_246 = arith.constant 0 : i32
    %dma_wait3A_247 = tpu.memref_slice %arg4[%add3A_243, %dma_wait3A_246] : memref<327680x128xf32, #tpu.memory_space<hbm>> -> memref<640x64xf32, #tpu.memory_space<hbm>>
    tpu.wait_dma2 semaphore(%arg10 : memref<!tpu.dma_semaphore, #tpu.memory_space<semaphore_mem>>) src(%arg6 : memref<640x64xf32, #tpu.memory_space<vmem>>) dst(%dma_wait3A_247 : memref<640x64xf32, #tpu.memory_space<hbm>>)
    %dma_start3A_248 = arith.constant 7680 : i32
    %dma_start3A_249 = tpu.memref_slice %arg5[%dma_start3A_248] : memref<10240xi32, #tpu.memory_space<vmem>> -> memref<640xi32, #tpu.memory_space<vmem>>
    %dma_start3A_250 = arith.constant 0 : i32
    %dma_start3A_251 = arith.constant 0 : i32
    %dma_start3A_252 = tpu.memref_slice %arg3[%dma_start3A_250, %dma_start3A_251] : memref<2000000x64xf32, #tpu.memory_space<hbm>> -> memref<2000000x64xf32, #tpu.memory_space<hbm>>
    tpu.enqueue_indirect_dma source(%dma_start3A_252 : memref<2000000x64xf32, #tpu.memory_space<hbm>>) target(%arg6 : memref<640x64xf32, #tpu.memory_space<vmem>>) offsets(%dma_start3A_249 : memref<640xi32, #tpu.memory_space<vmem>>) semaphore(%arg8 : memref<!tpu.dma_semaphore, #tpu.memory_space<semaphore_mem>>)
    %dma_wait3A_253 = arith.constant 7040 : i32
    %dma_wait3A_254 = tpu.memref_slice %arg5[%dma_wait3A_253] : memref<10240xi32, #tpu.memory_space<vmem>> -> memref<640xi32, #tpu.memory_space<vmem>>
    %dma_wait3A_255 = arith.constant 0 : i32
    %dma_wait3A_256 = arith.constant 0 : i32
    %dma_wait3A_257 = tpu.memref_slice %arg3[%dma_wait3A_255, %dma_wait3A_256] : memref<2000000x64xf32, #tpu.memory_space<hbm>> -> memref<2000000x64xf32, #tpu.memory_space<hbm>>
    tpu.wait_indirect_dma semaphore(%arg9 : memref<!tpu.dma_semaphore, #tpu.memory_space<semaphore_mem>>) src(%dma_wait3A_257 : memref<2000000x64xf32, #tpu.memory_space<hbm>>) dst(%arg7 : memref<640x64xf32, #tpu.memory_space<vmem>>)
    %add3A_258 = arith.constant 7040 : i32
    %add3A_259 = arith.addi %mul3A_2, %add3A_258 : i32
    %dma_start3A_260 = arith.constant 0 : i32
    %dma_start3A_261 = tpu.memref_slice %arg4[%add3A_259, %dma_start3A_260] : memref<327680x128xf32, #tpu.memory_space<hbm>> -> memref<640x64xf32, #tpu.memory_space<hbm>>
    %dma_start3A_262 = arith.constant 0 : i32
    %dma_start3A_263 = tpu.memref_slice %arg4[%add3A_259, %dma_start3A_262] : memref<327680x128xf32, #tpu.memory_space<hbm>> -> memref<640x64xf32, #tpu.memory_space<hbm>>
    tpu.enqueue_dma source(%arg7 : memref<640x64xf32, #tpu.memory_space<vmem>>) target(%dma_start3A_263 : memref<640x64xf32, #tpu.memory_space<hbm>>) target_semaphore(%arg11 : memref<!tpu.dma_semaphore, #tpu.memory_space<semaphore_mem>>)
    %add3A_264 = arith.constant 7040 : i32
    %add3A_265 = arith.addi %mul3A_2, %add3A_264 : i32
    %dma_wait3A_266 = arith.constant 0 : i32
    %dma_wait3A_267 = tpu.memref_slice %arg4[%add3A_265, %dma_wait3A_266] : memref<327680x128xf32, #tpu.memory_space<hbm>> -> memref<640x64xf32, #tpu.memory_space<hbm>>
    %dma_wait3A_268 = arith.constant 0 : i32
    %dma_wait3A_269 = tpu.memref_slice %arg4[%add3A_265, %dma_wait3A_268] : memref<327680x128xf32, #tpu.memory_space<hbm>> -> memref<640x64xf32, #tpu.memory_space<hbm>>
    tpu.wait_dma2 semaphore(%arg11 : memref<!tpu.dma_semaphore, #tpu.memory_space<semaphore_mem>>) src(%arg7 : memref<640x64xf32, #tpu.memory_space<vmem>>) dst(%dma_wait3A_269 : memref<640x64xf32, #tpu.memory_space<hbm>>)
    %dma_start3A_270 = arith.constant 8320 : i32
    %dma_start3A_271 = tpu.memref_slice %arg5[%dma_start3A_270] : memref<10240xi32, #tpu.memory_space<vmem>> -> memref<640xi32, #tpu.memory_space<vmem>>
    %dma_start3A_272 = arith.constant 0 : i32
    %dma_start3A_273 = arith.constant 0 : i32
    %dma_start3A_274 = tpu.memref_slice %arg3[%dma_start3A_272, %dma_start3A_273] : memref<2000000x64xf32, #tpu.memory_space<hbm>> -> memref<2000000x64xf32, #tpu.memory_space<hbm>>
    tpu.enqueue_indirect_dma source(%dma_start3A_274 : memref<2000000x64xf32, #tpu.memory_space<hbm>>) target(%arg7 : memref<640x64xf32, #tpu.memory_space<vmem>>) offsets(%dma_start3A_271 : memref<640xi32, #tpu.memory_space<vmem>>) semaphore(%arg9 : memref<!tpu.dma_semaphore, #tpu.memory_space<semaphore_mem>>)
    %dma_wait3A_275 = arith.constant 7680 : i32
    %dma_wait3A_276 = tpu.memref_slice %arg5[%dma_wait3A_275] : memref<10240xi32, #tpu.memory_space<vmem>> -> memref<640xi32, #tpu.memory_space<vmem>>
    %dma_wait3A_277 = arith.constant 0 : i32
    %dma_wait3A_278 = arith.constant 0 : i32
    %dma_wait3A_279 = tpu.memref_slice %arg3[%dma_wait3A_277, %dma_wait3A_278] : memref<2000000x64xf32, #tpu.memory_space<hbm>> -> memref<2000000x64xf32, #tpu.memory_space<hbm>>
    tpu.wait_indirect_dma semaphore(%arg8 : memref<!tpu.dma_semaphore, #tpu.memory_space<semaphore_mem>>) src(%dma_wait3A_279 : memref<2000000x64xf32, #tpu.memory_space<hbm>>) dst(%arg6 : memref<640x64xf32, #tpu.memory_space<vmem>>)
    %add3A_280 = arith.constant 7680 : i32
    %add3A_281 = arith.addi %mul3A_2, %add3A_280 : i32
    %dma_start3A_282 = arith.constant 0 : i32
    %dma_start3A_283 = tpu.memref_slice %arg4[%add3A_281, %dma_start3A_282] : memref<327680x128xf32, #tpu.memory_space<hbm>> -> memref<640x64xf32, #tpu.memory_space<hbm>>
    %dma_start3A_284 = arith.constant 0 : i32
    %dma_start3A_285 = tpu.memref_slice %arg4[%add3A_281, %dma_start3A_284] : memref<327680x128xf32, #tpu.memory_space<hbm>> -> memref<640x64xf32, #tpu.memory_space<hbm>>
    tpu.enqueue_dma source(%arg6 : memref<640x64xf32, #tpu.memory_space<vmem>>) target(%dma_start3A_285 : memref<640x64xf32, #tpu.memory_space<hbm>>) target_semaphore(%arg10 : memref<!tpu.dma_semaphore, #tpu.memory_space<semaphore_mem>>)
    %add3A_286 = arith.constant 7680 : i32
    %add3A_287 = arith.addi %mul3A_2, %add3A_286 : i32
    %dma_wait3A_288 = arith.constant 0 : i32
    %dma_wait3A_289 = tpu.memref_slice %arg4[%add3A_287, %dma_wait3A_288] : memref<327680x128xf32, #tpu.memory_space<hbm>> -> memref<640x64xf32, #tpu.memory_space<hbm>>
    %dma_wait3A_290 = arith.constant 0 : i32
    %dma_wait3A_291 = tpu.memref_slice %arg4[%add3A_287, %dma_wait3A_290] : memref<327680x128xf32, #tpu.memory_space<hbm>> -> memref<640x64xf32, #tpu.memory_space<hbm>>
    tpu.wait_dma2 semaphore(%arg10 : memref<!tpu.dma_semaphore, #tpu.memory_space<semaphore_mem>>) src(%arg6 : memref<640x64xf32, #tpu.memory_space<vmem>>) dst(%dma_wait3A_291 : memref<640x64xf32, #tpu.memory_space<hbm>>)
    %dma_start3A_292 = arith.constant 8960 : i32
    %dma_start3A_293 = tpu.memref_slice %arg5[%dma_start3A_292] : memref<10240xi32, #tpu.memory_space<vmem>> -> memref<640xi32, #tpu.memory_space<vmem>>
    %dma_start3A_294 = arith.constant 0 : i32
    %dma_start3A_295 = arith.constant 0 : i32
    %dma_start3A_296 = tpu.memref_slice %arg3[%dma_start3A_294, %dma_start3A_295] : memref<2000000x64xf32, #tpu.memory_space<hbm>> -> memref<2000000x64xf32, #tpu.memory_space<hbm>>
    tpu.enqueue_indirect_dma source(%dma_start3A_296 : memref<2000000x64xf32, #tpu.memory_space<hbm>>) target(%arg6 : memref<640x64xf32, #tpu.memory_space<vmem>>) offsets(%dma_start3A_293 : memref<640xi32, #tpu.memory_space<vmem>>) semaphore(%arg8 : memref<!tpu.dma_semaphore, #tpu.memory_space<semaphore_mem>>)
    %dma_wait3A_297 = arith.constant 8320 : i32
    %dma_wait3A_298 = tpu.memref_slice %arg5[%dma_wait3A_297] : memref<10240xi32, #tpu.memory_space<vmem>> -> memref<640xi32, #tpu.memory_space<vmem>>
    %dma_wait3A_299 = arith.constant 0 : i32
    %dma_wait3A_300 = arith.constant 0 : i32
    %dma_wait3A_301 = tpu.memref_slice %arg3[%dma_wait3A_299, %dma_wait3A_300] : memref<2000000x64xf32, #tpu.memory_space<hbm>> -> memref<2000000x64xf32, #tpu.memory_space<hbm>>
    tpu.wait_indirect_dma semaphore(%arg9 : memref<!tpu.dma_semaphore, #tpu.memory_space<semaphore_mem>>) src(%dma_wait3A_301 : memref<2000000x64xf32, #tpu.memory_space<hbm>>) dst(%arg7 : memref<640x64xf32, #tpu.memory_space<vmem>>)
    %add3A_302 = arith.constant 8320 : i32
    %add3A_303 = arith.addi %mul3A_2, %add3A_302 : i32
    %dma_start3A_304 = arith.constant 0 : i32
    %dma_start3A_305 = tpu.memref_slice %arg4[%add3A_303, %dma_start3A_304] : memref<327680x128xf32, #tpu.memory_space<hbm>> -> memref<640x64xf32, #tpu.memory_space<hbm>>
    %dma_start3A_306 = arith.constant 0 : i32
    %dma_start3A_307 = tpu.memref_slice %arg4[%add3A_303, %dma_start3A_306] : memref<327680x128xf32, #tpu.memory_space<hbm>> -> memref<640x64xf32, #tpu.memory_space<hbm>>
    tpu.enqueue_dma source(%arg7 : memref<640x64xf32, #tpu.memory_space<vmem>>) target(%dma_start3A_307 : memref<640x64xf32, #tpu.memory_space<hbm>>) target_semaphore(%arg11 : memref<!tpu.dma_semaphore, #tpu.memory_space<semaphore_mem>>)
    %add3A_308 = arith.constant 8320 : i32
    %add3A_309 = arith.addi %mul3A_2, %add3A_308 : i32
    %dma_wait3A_310 = arith.constant 0 : i32
    %dma_wait3A_311 = tpu.memref_slice %arg4[%add3A_309, %dma_wait3A_310] : memref<327680x128xf32, #tpu.memory_space<hbm>> -> memref<640x64xf32, #tpu.memory_space<hbm>>
    %dma_wait3A_312 = arith.constant 0 : i32
    %dma_wait3A_313 = tpu.memref_slice %arg4[%add3A_309, %dma_wait3A_312] : memref<327680x128xf32, #tpu.memory_space<hbm>> -> memref<640x64xf32, #tpu.memory_space<hbm>>
    tpu.wait_dma2 semaphore(%arg11 : memref<!tpu.dma_semaphore, #tpu.memory_space<semaphore_mem>>) src(%arg7 : memref<640x64xf32, #tpu.memory_space<vmem>>) dst(%dma_wait3A_313 : memref<640x64xf32, #tpu.memory_space<hbm>>)
    %dma_start3A_314 = arith.constant 9600 : i32
    %dma_start3A_315 = tpu.memref_slice %arg5[%dma_start3A_314] : memref<10240xi32, #tpu.memory_space<vmem>> -> memref<640xi32, #tpu.memory_space<vmem>>
    %dma_start3A_316 = arith.constant 0 : i32
    %dma_start3A_317 = arith.constant 0 : i32
    %dma_start3A_318 = tpu.memref_slice %arg3[%dma_start3A_316, %dma_start3A_317] : memref<2000000x64xf32, #tpu.memory_space<hbm>> -> memref<2000000x64xf32, #tpu.memory_space<hbm>>
    tpu.enqueue_indirect_dma source(%dma_start3A_318 : memref<2000000x64xf32, #tpu.memory_space<hbm>>) target(%arg7 : memref<640x64xf32, #tpu.memory_space<vmem>>) offsets(%dma_start3A_315 : memref<640xi32, #tpu.memory_space<vmem>>) semaphore(%arg9 : memref<!tpu.dma_semaphore, #tpu.memory_space<semaphore_mem>>)
    %dma_wait3A_319 = arith.constant 8960 : i32
    %dma_wait3A_320 = tpu.memref_slice %arg5[%dma_wait3A_319] : memref<10240xi32, #tpu.memory_space<vmem>> -> memref<640xi32, #tpu.memory_space<vmem>>
    %dma_wait3A_321 = arith.constant 0 : i32
    %dma_wait3A_322 = arith.constant 0 : i32
    %dma_wait3A_323 = tpu.memref_slice %arg3[%dma_wait3A_321, %dma_wait3A_322] : memref<2000000x64xf32, #tpu.memory_space<hbm>> -> memref<2000000x64xf32, #tpu.memory_space<hbm>>
    tpu.wait_indirect_dma semaphore(%arg8 : memref<!tpu.dma_semaphore, #tpu.memory_space<semaphore_mem>>) src(%dma_wait3A_323 : memref<2000000x64xf32, #tpu.memory_space<hbm>>) dst(%arg6 : memref<640x64xf32, #tpu.memory_space<vmem>>)
    %add3A_324 = arith.constant 8960 : i32
    %add3A_325 = arith.addi %mul3A_2, %add3A_324 : i32
    %dma_start3A_326 = arith.constant 0 : i32
    %dma_start3A_327 = tpu.memref_slice %arg4[%add3A_325, %dma_start3A_326] : memref<327680x128xf32, #tpu.memory_space<hbm>> -> memref<640x64xf32, #tpu.memory_space<hbm>>
    %dma_start3A_328 = arith.constant 0 : i32
    %dma_start3A_329 = tpu.memref_slice %arg4[%add3A_325, %dma_start3A_328] : memref<327680x128xf32, #tpu.memory_space<hbm>> -> memref<640x64xf32, #tpu.memory_space<hbm>>
    tpu.enqueue_dma source(%arg6 : memref<640x64xf32, #tpu.memory_space<vmem>>) target(%dma_start3A_329 : memref<640x64xf32, #tpu.memory_space<hbm>>) target_semaphore(%arg10 : memref<!tpu.dma_semaphore, #tpu.memory_space<semaphore_mem>>)
    %dma_wait3A_330 = arith.constant 9600 : i32
    %dma_wait3A_331 = tpu.memref_slice %arg5[%dma_wait3A_330] : memref<10240xi32, #tpu.memory_space<vmem>> -> memref<640xi32, #tpu.memory_space<vmem>>
    %dma_wait3A_332 = arith.constant 0 : i32
    %dma_wait3A_333 = arith.constant 0 : i32
    %dma_wait3A_334 = tpu.memref_slice %arg3[%dma_wait3A_332, %dma_wait3A_333] : memref<2000000x64xf32, #tpu.memory_space<hbm>> -> memref<2000000x64xf32, #tpu.memory_space<hbm>>
    tpu.wait_indirect_dma semaphore(%arg9 : memref<!tpu.dma_semaphore, #tpu.memory_space<semaphore_mem>>) src(%dma_wait3A_334 : memref<2000000x64xf32, #tpu.memory_space<hbm>>) dst(%arg7 : memref<640x64xf32, #tpu.memory_space<vmem>>)
    %add3A_335 = arith.constant 9600 : i32
    %add3A_336 = arith.addi %mul3A_2, %add3A_335 : i32
    %dma_start3A_337 = arith.constant 0 : i32
    %dma_start3A_338 = tpu.memref_slice %arg4[%add3A_336, %dma_start3A_337] : memref<327680x128xf32, #tpu.memory_space<hbm>> -> memref<640x64xf32, #tpu.memory_space<hbm>>
    %dma_start3A_339 = arith.constant 0 : i32
    %dma_start3A_340 = tpu.memref_slice %arg4[%add3A_336, %dma_start3A_339] : memref<327680x128xf32, #tpu.memory_space<hbm>> -> memref<640x64xf32, #tpu.memory_space<hbm>>
    tpu.enqueue_dma source(%arg7 : memref<640x64xf32, #tpu.memory_space<vmem>>) target(%dma_start3A_340 : memref<640x64xf32, #tpu.memory_space<hbm>>) target_semaphore(%arg11 : memref<!tpu.dma_semaphore, #tpu.memory_space<semaphore_mem>>)
    %add3A_341 = arith.constant 8960 : i32
    %add3A_342 = arith.addi %mul3A_2, %add3A_341 : i32
    %dma_wait3A_343 = arith.constant 0 : i32
    %dma_wait3A_344 = tpu.memref_slice %arg4[%add3A_342, %dma_wait3A_343] : memref<327680x128xf32, #tpu.memory_space<hbm>> -> memref<640x64xf32, #tpu.memory_space<hbm>>
    %dma_wait3A_345 = arith.constant 0 : i32
    %dma_wait3A_346 = tpu.memref_slice %arg4[%add3A_342, %dma_wait3A_345] : memref<327680x128xf32, #tpu.memory_space<hbm>> -> memref<640x64xf32, #tpu.memory_space<hbm>>
    tpu.wait_dma2 semaphore(%arg10 : memref<!tpu.dma_semaphore, #tpu.memory_space<semaphore_mem>>) src(%arg6 : memref<640x64xf32, #tpu.memory_space<vmem>>) dst(%dma_wait3A_346 : memref<640x64xf32, #tpu.memory_space<hbm>>)
    %add3A_347 = arith.constant 9600 : i32
    %add3A_348 = arith.addi %mul3A_2, %add3A_347 : i32
    %dma_wait3A_349 = arith.constant 0 : i32
    %dma_wait3A_350 = tpu.memref_slice %arg4[%add3A_348, %dma_wait3A_349] : memref<327680x128xf32, #tpu.memory_space<hbm>> -> memref<640x64xf32, #tpu.memory_space<hbm>>
    %dma_wait3A_351 = arith.constant 0 : i32
    %dma_wait3A_352 = tpu.memref_slice %arg4[%add3A_348, %dma_wait3A_351] : memref<327680x128xf32, #tpu.memory_space<hbm>> -> memref<640x64xf32, #tpu.memory_space<hbm>>
    tpu.wait_dma2 semaphore(%arg11 : memref<!tpu.dma_semaphore, #tpu.memory_space<semaphore_mem>>) src(%arg7 : memref<640x64xf32, #tpu.memory_space<vmem>>) dst(%dma_wait3A_352 : memref<640x64xf32, #tpu.memory_space<hbm>>)
    return
  }
}

</mosaic_0001>

<sc_bundles>
// kernel: kernel.3.cloned.1.call-start
scs
__scs_entry_jumppad:
0x0: {  	(pc) =	sbr.rel $0x88, $3  }
0x1: {  	(tag) =	ssettag $0x0;
	lr =	simm.s32 $0x1  }
0x2: {  	[smem:$0x3F9F] =	sst lr;
	_ =	strace $0xD0000000  }
0x3: {  	_ = 	snop  }
0x4: {  	_ = 	snop  }
0x5: {  	_ = 	snop  }
0x6: {  	_ = 	snop  }
0x7: {  	_ = 	snop  }
__scs_overlays_trampoline_lowered:
0x8: {  	[smem:$0x3FAE] =	sst s0  }
0x9: {  	[smem:$0x3FAF] =	sst s1  }
0xa: {  	[smem:$0x3FB0] =	sst s2  }
0xb: {  	[smem:$0x3FB1] =	sst s3  }
0xc: {  	[smem:$0x3FB2] =	sst s4  }
0xd: {  	[smem:$0x3FB3] =	sst s5  }
0xe: {  	[smem:$0x3FB4] =	sst s6  }
0xf: {  	[smem:$0x3FB5] =	sst s7  }
0x10: {  	[smem:$0x3FB6] =	sst s8  }
0x11: {  	[smem:$0x3FB7] =	sst s9;
	s0 =	simm.s32 @!p0 $0x0  }
0x12: {  	s1 =	sld [smem:$0x3F9D];
	s0 =	simm.s32 @p0 $0x1  }
0x13: {  	[smem:$0x3FB8] =	sst s0;
	s0 =	simm.s32 @!p1 $0x0  }
0x14: {  	s2 =	sld [smem:$0x3F9C];
	s0 =	simm.s32 @p1 $0x1  }
0x15: {  	[smem:$0x3FB9] =	sst s0;
	s0 =	simm.s32 @!p2 $0x0  }
0x16: {  	s3 =	sld [smem:$0x3FDB];
	s0 =	simm.s32 @p2 $0x1  }
0x17: {  	s4 =	simm.s32 $0x1BF5;
	[smem:$0x3FBB] =	sst s0  }
0x18: {  	s0 =	sld [smem:$0x3F9E];
	_ =	swait.ge [sflag:s4], $0x0  }
0x19: {  	s7 =	sld [smem:$0x3F9F]  }
0x1a: {  	s8 =	sadd.s32 $0xFFFFE003, lr  }
0x1b: {  	s9 =	sadd.s32 $0xFFFFFEF7, lr;
	s5 =	simm.s32 $0xFFFFFFFF;
	p2 =	slt.u32 s8, $0xFFFFF086  }
0x1c: {  	p1 =	slt.u32 s9, $0xF7A;
	s5 =	simm.s32 @!p2 $0x0  }
0x1d: {  	s5 =	simm.s32 @p1 $0x1;
	p0 =	seq.s32 s7, s2  }
0x1e: {  	s7 =	smul.u32 @!p0 $0xF7A, s2;
	p2 =	seq.s32 @!p0 s5, $0x0  }
0x1f: {  	s9 =	smul.u32 $0xF7A, s1;
	s8 =	simm.s32 @!p0 $0x1BF5;
	p2 =	por !p2, p0  }
0x20: {  	[sflag:s8] =	ssyncset.s32 @!p0 $0xFFFFF086;
	s6 =	sadd.s32 @!p0 s3, s7;
	s7 =	simm.s32 @!p0 $0x108  }
0x21: {  	s3 =	sadd.s32 s3, s9;
	s6 =	sadd.s32 @!p0 $0x88, s6;
	s7 =	simm.s32 @p2 $0x1082  }
0x22: {  	[simem:s7], [sflag:s8] =	dma.local @!p0 [hbm:s6], $0xF7A  }
0x23: {  	s9 =	sor.u32 $0xD0000000, s2;
	s6 =	simm.s32 $0x108;
	_ =	swait.ge @!p0 [sflag:s8], $0x0  }
0x24: {  	s3 =	sadd.s32 $0x88, s3;
	s6 =	simm.s32 @!p1 $0x1082;
	[sflag:s4] =	ssyncset.s32 $0xFFFFF086  }
0x25: {  	[simem:s6], [sflag:s4] =	dma.local [hbm:s3], $0xF7A  }
0x26: {  	[smem:$0x3F9F] =	sst s1;
	(tag) =	ssettag s2;
	_ =	strace s9  }
0x27: {  	s1 =	sld [smem:$0x3FAF]  }
0x28: {  	s2 =	sld [smem:$0x3FB0]  }
0x29: {  	s4 =	sld [smem:$0x3FB2]  }
0x2a: {  	p0 =	seq.s32 s5, $0x0;
	s5 =	sld [smem:$0x3FB3]  }
0x2b: {  	s6 =	sld [smem:$0x3FB4]  }
0x2c: {  	s7 =	sld [smem:$0x3FB5]  }
0x2d: {  	s3 =	simm.s32 $0x108;
	s8 =	sld [smem:$0x3FB6]  }
0x2e: {  	s3 =	simm.s32 @!p0 $0x1082;
	s9 =	sld [smem:$0x3FB7]  }
0x2f: {  	lr =	sadd.s32 s0, s3;
	s0 =	sld [smem:$0x3FAE]  }
0x30: {  	s3 =	sld [smem:$0x3FB1]  }
0x31: {  	[smem:$0x3FBA] =	sst s10  }
0x32: {  	s10 =	sld [smem:$0x3FB8];
	_ =	sdelay $0x3  }
0x33: {  	p0 =	seq.s32 s10, $0x1;
	s10 =	sld [smem:$0x3FBA];
	_ =	sdelay $0x3  }
0x34: {  	[smem:$0x3FBA] =	sst s10  }
0x35: {  	s10 =	sld [smem:$0x3FB9];
	_ =	sdelay $0x3  }
0x36: {  	p1 =	seq.s32 s10, $0x1;
	s10 =	sld [smem:$0x3FBA];
	_ =	sdelay $0x3  }
0x37: {  	[smem:$0x3FBA] =	sst s10  }
0x38: {  	s10 =	sld [smem:$0x3FBB]  }
0x39: {  	_ = 	snop;
	(pc) =	sbr.ind lr, $3  }
0x3a: {  	_ = 	snop  }
0x3b: {  	_ = 	snop  }
0x3c: {  	p2 =	seq.s32 s10, $0x1;
	s10 =	sld [smem:$0x3FBA]  }
0x3d: {  	_ =	shalt  }
0x3e: {  	_ =	shalt  }
0x3f: {  	_ =	shalt  }
0x40: {  	_ =	shalt  }
0x41: {  	_ =	shalt  }
0x42: {  	_ =	shalt  }
0x43: {  	_ =	shalt  }
0x44: {  	_ =	shalt  }
0x45: {  	_ =	shalt  }
0x46: {  	_ =	shalt  }
0x47: {  	_ =	shalt  }
0x48: {  	_ =	shalt  }
0x49: {  	_ =	shalt  }
0x4a: {  	_ =	shalt  }
0x4b: {  	_ =	shalt  }
0x4c: {  	_ =	shalt  }
0x4d: {  	_ =	shalt  }
0x4e: {  	_ =	shalt  }
0x4f: {  	_ =	shalt  }
0x50: {  	_ =	shalt  }
0x51: {  	_ =	shalt  }
0x52: {  	_ =	shalt  }
0x53: {  	_ =	shalt  }
0x54: {  	_ =	shalt  }
0x55: {  	_ =	shalt  }
0x56: {  	_ =	shalt  }
0x57: {  	_ =	shalt  }
0x58: {  	_ =	shalt  }
0x59: {  	_ =	shalt  }
0x5a: {  	_ =	shalt  }
0x5b: {  	_ =	shalt  }
0x5c: {  	_ =	shalt  }
0x5d: {  	_ =	shalt  }
0x5e: {  	_ =	shalt  }
0x5f: {  	_ =	shalt  }
0x60: {  	_ =	shalt  }
0x61: {  	_ =	shalt  }
0x62: {  	_ =	shalt  }
0x63: {  	_ =	shalt  }
0x64: {  	_ =	shalt  }
0x65: {  	_ =	shalt  }
0x66: {  	_ =	shalt  }
0x67: {  	_ =	shalt  }
0x68: {  	_ =	shalt  }
0x69: {  	_ =	shalt  }
0x6a: {  	_ =	shalt  }
0x6b: {  	_ =	shalt  }
0x6c: {  	_ =	shalt  }
0x6d: {  	_ =	shalt  }
0x6e: {  	_ =	shalt  }
0x6f: {  	_ =	shalt  }
0x70: {  	_ =	shalt  }
0x71: {  	_ =	shalt  }
0x72: {  	_ =	shalt  }
0x73: {  	_ =	shalt  }
0x74: {  	_ =	shalt  }
0x75: {  	_ =	shalt  }
0x76: {  	_ =	shalt  }
0x77: {  	_ =	shalt  }
0x78: {  	_ =	shalt  }
0x79: {  	_ =	shalt  }
0x7a: {  	_ =	shalt  }
0x7b: {  	_ =	shalt  }
0x7c: {  	_ =	shalt  }
0x7d: {  	_ =	shalt  }
0x7e: {  	_ =	shalt  }
0x7f: {  	_ =	shalt  }
0x80: {  	_ =	shalt  }
0x81: {  	_ =	shalt  }
0x82: {  	_ =	shalt  }
0x83: {  	_ =	shalt  }
0x84: {  	_ =	shalt  }
0x85: {  	_ =	shalt  }
0x86: {  	_ =	shalt  }
0x87: {  	_ =	shalt  }
.Lfunc_end0:
.L_simem_size_0:
called_computation.2_lowered:
.L_overlay_start_0:
0x88: {  	s2 =	sld [smem:$0x3FD9]  }
0x89: {  	s3 =	sld [smem:$0x3FFE];
	_ =	sdelay $0x1  }
0x8a: {  	s1 =	srdreg.scid  }
0x8b: {  	s0 =	sand.u32 $0x1, s1  }
0x8c: {  	s17 =	sshll.u32 s0, $0xA;
	s2 =	sadd.s32 s3, s2  }
0x8d: {  	s2 =	sadd.s32 s2, s17  }
0x8e: {  	[smem:$0x3FC6] =	sst s2  }
0x8f: {  	_ = 	snop  }
0x90: {  	s2 =	sld [smem:$0x3FD0];
	(tm) =	ssettm $0x1  }
0x91: {  	s18 =	sld [smem:$0x3FFB];
	_ =	sdelay $0x3  }
0x92: {  	_ =	strace s18  }
0x93: {  	s3 =	sld [smem:$0x3FFC];
	_ =	sdelay $0x3  }
0x94: {  	_ =	strace s3  }
0x95: {  	s3 =	sld [smem:$0x3FFD];
	_ =	sdelay $0x3  }
0x96: {  	_ =	strace s3  }
0x97: {  	_ =	strace $0x8FFFFFFF  }
0x98: {  	s19 =	sld [smem:$0x3FDB];
	_ =	sdelay $0x1  }
0x99: {  	s4 =	simm.s32 $_scs_section_size  }
0x9a: {  	s5 =	simm.s32 $_size__tile_overlayer_lowered;
	s6 =	simm.s32 $_tile_overlayer_lowered  }
0x9b: {  	s22 =	simm.s32 $0x1BFF;
	s21 =	sshll.u32 s6, $0x1;
	s3 =	sadd.s32 s4, s19  }
0x9c: {  	s7 =	simm.s32 $0x0;
	s20 =	sshll.u32 s5, $0x1;
	s5 =	sadd.s32 s21, s3  }
0x9d: {  	[timem:s7], [sflag:s22] =	dma.local [hbm:s5], s20  }
0x9e: {  	_ =	swait.ge [sflag:s22], s20  }
0x9f: {  	s4 =	ssub.s32 $0x0, s20;
	[sflag:s22] =	ssyncset.done $0x0  }
0xa0: {  	[sflag:s22] =	ssyncadd.s32 s4;
	_ =	sdelay $0x1  }
0xa1: {  	s23 =	simm.s32 $0x1B8B  }
0xa2: {  	_ =	swait.ge [sflag:s23], $0x1  }
0xa3: {  	[sflag:s23] =	ssyncset.done $0x0  }
0xa4: {  	s25 =	simm.s32 $0x1B8E;
	s24 =	sld [smem:$0x3FFE];
	[sflag:s23] =	ssyncadd.s32 $0xFFFFFFFF  }
0xa5: {  	s26 =	simm.s32 $execute0_lowered;
	[smem:$0x3FD2] =	sst s25  }
0xa6: {  	s5 =	sshll.u32 s26, $0x1;
	_ =	strace $0x80000049;
	[dreg:$0x1] =	wrdreg $0xFFFFFFFF  }
0xa7: {  	s28 =	simm.s32 $_size_execute0_lowered;
	s3 =	sadd.s32 s3, s5;
	[dreg:$0x0] =	wrdreg $0x0  }
0xa8: {  	s5 =	sshll.u32 s28, $0x1;
	[dreg:$0x2] =	wrdreg s3  }
0xa9: {  	[dreg:$0x3] =	wrdreg s5  }
0xaa: {  	[dreg:$0x4] =	wrdreg $0xC0  }
0xab: {  	_ =	task [dreg:s7], $0x5FFFF  }
0xac: {  	[dreg:$0x1] =	wrdreg $0xFFFFFFFF  }
0xad: {  	[dreg:$0x0] =	wrdreg $0x60  }
0xae: {  	[dreg:$0x2] =	wrdreg s2  }
0xaf: {  	[dreg:$0x3] =	wrdreg s24  }
0xb0: {  	[dreg:$0x4] =	wrdreg $0x9  }
0xb1: {  	_ =	task.clear_ibuf [dreg:s7], $0x5FFFF;
	_ =	strace $0x90000049  }
0xb2: {  	s29 =	simm.s32 $0x9;
	_ =	strace $0x8000004B  }
0xb3: {  	_ =	swait.ge [sflag:s29], $0x1  }
0xb4: {  	[sflag:s29] =	ssyncadd.s32 $0xFFFFFFFF  }
0xb5: {  	_ =	strace $0x9000004B  }
0xb6: {  	_ =	sfence  }
0xb7: {  	s30 =	sld [smem:$0x0];
	_ =	sdelay $0x2  }
0xb8: {  	s31 =	sshll.u32 s1, $0xD;
	s1 =	sshrl.u32 s1, $0x2  }
0xb9: {  	s3 =	sand.u32 $0x4000, s31;
	s1 =	sadd.s32 s1, s30  }
0xba: {  	s0 =	sor.u32 s3, s0;
	s1 =	sshll.u32 s1, $0x11  }
0xbb: {  	s0 =	sor.u32 s1, s0  }
0xbc: {  	s0 =	sadd.s32 $0x8F2B, s0  }
0xbd: {  	[sflag:s0] =	ssyncadd.remote.s32 $0x1  }
0xbe: {  	_ =	sfence.sel $0xFFFF  }
0xbf: {  	[dreg:$0x0] =	wrdreg $0xFFFFFFFF;
	(pc) =	sbr.abs _section_cstart, $3  }
0xc0: {  	[dreg:$0x1] =	wrdreg $0xFFFFFFFF  }
0xc1: {  	_ =	task.clear_ibuf [dreg:s7], $0x2FFFF;
	_ =	strace $0x9FFFFFFF  }
0xc2: {  	(tm) =	ssettm $0x7FFFFFFF  }
0xc3: {  	_ =	shalt  }
tec
execute0_lowered:
.L_overlay_start_1:
0x0: {  	(tag) =	ssettag $0x1  }
0x1: {  	s0 =	srdreg.scid  }
0x2: {  	s2 =	stileid.u32;
	s1 =	rddreg [dreg:$0x0]  }
0x3: {  	s3 =	rddreg [dreg:$0x1];
	s22 =	simm.s32 $0x0;
	s31 =	simm.s32 $0x5  }
0x4: {  	s9 =	simm.s32 $0x2800;
	s8 =	simm.s32 $0x40;
	s30 =	simm.s32 $0x500  }
0x5: {  	s7 =	simm.s32 $0x4;
	s0 =	sand.u32 $0x1, s0;
	s2 =	sshll.u32 s2, $0x1  }
0x6: {  	s29 =	simm.s32 $0x780;
	s28 =	simm.s32 $0xA00;
	s2 =	sor.u32 s0, s2  }
0x7: {  	p0 =	por $0x0, $0x0;
	[smem:$0x7FF] =	sst s22;
	s4 =	smul.u32 $0x500, s2  }
0x8: {  	s6 =	sadd.s32 $0xE00, s3;
	s0 =	ssub.s32 $0x2, s0;
	s5 =	smul.u32 $0x28000, s2  }
0x9: {  	_ =	strace $0x8000004A;
	s2 =	smul.u32 $0x140000, s2;
	s25 =	sshrl.u32 s0, $0x1  }
0xa: {  	s0 =	ssub.s32 s0, s25;
	s1 =	sadd.s32 s1, s4;
	s23 =	sadd.s32 s6, s5  }
0xb: {  	s25 =	simm.s32 $0xF00;
	[dreg:$0x3] =	wrdreg s1;
	s10 =	sadd.s32 $0x2800, s23  }
0xc: {  	s2 =	sshrl.u32 s2, $0x3;
	s11 =	sadd.s32 $0x5000, s23;
	[dreg:$0x4] =	wrdreg s10  }
0xd: {  	s0 =	smax.u32 s0, $0x1;
	s12 =	sadd.s32 $0x7800, s23;
	[dreg:$0x5] =	wrdreg s11  }
0xe: {  	s13 =	sadd.s32 s6, s2;
	p1 =	sne.s32 s0, $0x1;
	[dreg:$0x6] =	wrdreg s12  }
0xf: {  	s1 =	sadd.s32 $0xFFFFFFFF, s0;
	s14 =	sadd.s32 $0xA000, s13;
	s0 =	rddreg [dreg:$0x3]  }
0x10: {  	s5 =	simm.s32 $0xC800;
	s15 =	sadd.s32 $0xC800, s13;
	[dreg:$0x7] =	wrdreg s14  }
0x11: {  	s2 =	sadd.s32 $0xF43200, s3;
	s16 =	sadd.s32 $0xF000, s13;
	[dreg:$0x8] =	wrdreg s15  }
0x12: {  	s6 =	simm.s32 $0x3;
	s17 =	sadd.s32 $0x11800, s13;
	[dreg:$0x9] =	wrdreg s16  }
0x13: {  	s18 =	sadd.s32 $0x14000, s13;
	s19 =	sadd.s32 $0x16800, s13;
	[dreg:$0xa] =	wrdreg s17  }
0x14: {  	s20 =	sadd.s32 $0x19000, s13;
	s21 =	sadd.s32 $0x1B800, s13;
	[dreg:$0xb] =	wrdreg s18  }
0x15: {  	s24 =	sadd.s32 $0x1E000, s13;
	s26 =	sadd.s32 $0x20800, s13;
	[dreg:$0xc] =	wrdreg s19  }
0x16: {  	s4 =	sadd.s32 $0x23000, s13;
	s3 =	sadd.s32 $0x25800, s13;
	[dreg:$0xd] =	wrdreg s20  }
0x17: {  	s11 =	simm.s32 $0x280;
	s12 =	simm.s32 $0x1;
	[dreg:$0xe] =	wrdreg s21  }
.Ltmp0:
0x18: {  	s10 =	simm.s32 $0x80;
	[dreg:$0xf] =	wrdreg s24;
	(pc) =	sbr.rel @!p1 .LBB2_3-.Ltmp0, $4  }
0x19: {  	s13 =	simm.s32 $0x2;
	[dreg:$0x10] =	wrdreg s26;
	s26 =	simm.s32 $0xC80  }
0x1a: {  	s24 =	simm.s32 $0x1180;
	s21 =	simm.s32 $0x1400;
	s20 =	simm.s32 $0x1680  }
0x1b: {  	s19 =	simm.s32 $0x1900;
	s18 =	simm.s32 $0x1B80;
	s17 =	simm.s32 $0x1E00  }
0x1c: {  	s16 =	simm.s32 $0x2080;
	s15 =	simm.s32 $0x2300;
	s14 =	simm.s32 $0x2580  }
0x1d: {  	[tilespmem:s22], [sflag:$0x5] =	stream.linear.gather [hbm4b:s0+s22], $0x2800, $0x38;
	[tilespmem:$0x16800] =	vst v63  }
0x1e: {  	_ =	swait.ge [sflag:s31], $0x2800  }
0x1f: {  	[sflag:s31] =	ssyncset.done $0x0  }
0x20: {  	[sflag:s31] =	ssyncadd.s32 $0xFFFFD800  }
0x21: {  	[tilespmem:s9], [sflag:$0x1] =	stream.indirect.gather [hbm4b:s2+s11], $0x40, s22, s11, $0xb8;
	[tilespmem:$0x16800] =	vst v63  }
0x22: {  	_ = 	snop  }
0x23: {  	[tilespmem:s5], [sflag:$0x2] =	stream.indirect.gather [hbm4b:s2+s11], $0x40, s11, s11, $0xb8;
	[tilespmem:$0x16800] =	vst v63  }
0x24: {  	_ =	swait.ge [sflag:s12], $0xA000  }
0x25: {  	[sflag:s12] =	ssyncset.done $0x0  }
0x26: {  	[sflag:s12] =	ssyncadd.s32 $0xFFFF6000  }
0x27: {  	[hbm4b:s23+s8] =	stream.strided.scatter [tilespmem:s9], [sflag:$0x3], $0xA000, s10, s8, $0x38;
	[tilespmem:$0x16800] =	vst v63  }
0x28: {  	_ =	swait.ge [sflag:s6], $0xA000  }
0x29: {  	[sflag:s6] =	ssyncset.done $0x0  }
0x2a: {  	[sflag:s6] =	ssyncadd.s32 $0xFFFF6000  }
0x2b: {  	[tilespmem:s9], [sflag:$0x1] =	stream.indirect.gather [hbm4b:s2+s11], $0x40, s30, s11, $0xb8;
	[tilespmem:$0x16800] =	vst v63  }
0x2c: {  	_ =	swait.ge [sflag:s13], $0xA000  }
0x2d: {  	[sflag:s13] =	ssyncset.done $0x0  }
0x2e: {  	s0 =	rddreg [dreg:$0x4];
	[sflag:s13] =	ssyncadd.s32 $0xFFFF6000  }
0x2f: {  	[hbm4b:s0+s8] =	stream.strided.scatter [tilespmem:s5], [sflag:$0x4], $0xA000, s10, s8, $0x38;
	[tilespmem:$0x16800] =	vst v63  }
0x30: {  	_ =	swait.ge [sflag:s7], $0xA000  }
0x31: {  	[sflag:s7] =	ssyncset.done $0x0  }
0x32: {  	[sflag:s7] =	ssyncadd.s32 $0xFFFF6000  }
0x33: {  	[tilespmem:s5], [sflag:$0x2] =	stream.indirect.gather [hbm4b:s2+s11], $0x40, s29, s11, $0xb8;
	[tilespmem:$0x16800] =	vst v63  }
0x34: {  	_ =	swait.ge [sflag:s12], $0xA000  }
0x35: {  	[sflag:s12] =	ssyncset.done $0x0  }
0x36: {  	s0 =	rddreg [dreg:$0x5];
	[sflag:s12] =	ssyncadd.s32 $0xFFFF6000  }
0x37: {  	[hbm4b:s0+s8] =	stream.strided.scatter [tilespmem:s9], [sflag:$0x3], $0xA000, s10, s8, $0x38;
	[tilespmem:$0x16800] =	vst v63  }
0x38: {  	_ =	swait.ge [sflag:s6], $0xA000  }
0x39: {  	[sflag:s6] =	ssyncset.done $0x0  }
0x3a: {  	[sflag:s6] =	ssyncadd.s32 $0xFFFF6000  }
0x3b: {  	[tilespmem:s9], [sflag:$0x1] =	stream.indirect.gather [hbm4b:s2+s11], $0x40, s28, s11, $0xb8;
	[tilespmem:$0x16800] =	vst v63  }
0x3c: {  	_ =	swait.ge [sflag:s13], $0xA000  }
0x3d: {  	[sflag:s13] =	ssyncset.done $0x0  }
0x3e: {  	s0 =	rddreg [dreg:$0x6];
	[sflag:s13] =	ssyncadd.s32 $0xFFFF6000  }
0x3f: {  	[hbm4b:s0+s8] =	stream.strided.scatter [tilespmem:s5], [sflag:$0x4], $0xA000, s10, s8, $0x38;
	[tilespmem:$0x16800] =	vst v63  }
0x40: {  	_ =	swait.ge [sflag:s7], $0xA000  }
0x41: {  	[sflag:s7] =	ssyncset.done $0x0  }
0x42: {  	[sflag:s7] =	ssyncadd.s32 $0xFFFF6000  }
0x43: {  	[tilespmem:s5], [sflag:$0x2] =	stream.indirect.gather [hbm4b:s2+s11], $0x40, s26, s11, $0xb8;
	[tilespmem:$0x16800] =	vst v63  }
0x44: {  	_ =	swait.ge [sflag:s12], $0xA000  }
0x45: {  	[sflag:s12] =	ssyncset.done $0x0  }
0x46: {  	s0 =	rddreg [dreg:$0x7];
	[sflag:s12] =	ssyncadd.s32 $0xFFFF6000  }
0x47: {  	[hbm4b:s0+s8] =	stream.strided.scatter [tilespmem:s9], [sflag:$0x3], $0xA000, s10, s8, $0x38;
	[tilespmem:$0x16800] =	vst v63  }
0x48: {  	_ =	swait.ge [sflag:s6], $0xA000  }
0x49: {  	[sflag:s6] =	ssyncset.done $0x0  }
0x4a: {  	[sflag:s6] =	ssyncadd.s32 $0xFFFF6000  }
0x4b: {  	[tilespmem:s9], [sflag:$0x1] =	stream.indirect.gather [hbm4b:s2+s11], $0x40, s25, s11, $0xb8;
	[tilespmem:$0x16800] =	vst v63  }
0x4c: {  	_ =	swait.ge [sflag:s13], $0xA000  }
0x4d: {  	[sflag:s13] =	ssyncset.done $0x0  }
0x4e: {  	s0 =	rddreg [dreg:$0x8];
	[sflag:s13] =	ssyncadd.s32 $0xFFFF6000  }
0x4f: {  	[hbm4b:s0+s8] =	stream.strided.scatter [tilespmem:s5], [sflag:$0x4], $0xA000, s10, s8, $0x38;
	[tilespmem:$0x16800] =	vst v63  }
0x50: {  	_ =	swait.ge [sflag:s7], $0xA000  }
0x51: {  	[sflag:s7] =	ssyncset.done $0x0  }
0x52: {  	[sflag:s7] =	ssyncadd.s32 $0xFFFF6000  }
0x53: {  	[tilespmem:s5], [sflag:$0x2] =	stream.indirect.gather [hbm4b:s2+s11], $0x40, s24, s11, $0xb8;
	[tilespmem:$0x16800] =	vst v63  }
0x54: {  	_ =	swait.ge [sflag:s12], $0xA000  }
0x55: {  	[sflag:s12] =	ssyncset.done $0x0  }
0x56: {  	s0 =	rddreg [dreg:$0x9];
	[sflag:s12] =	ssyncadd.s32 $0xFFFF6000  }
0x57: {  	[hbm4b:s0+s8] =	stream.strided.scatter [tilespmem:s9], [sflag:$0x3], $0xA000, s10, s8, $0x38;
	[tilespmem:$0x16800] =	vst v63  }
0x58: {  	_ =	swait.ge [sflag:s6], $0xA000  }
0x59: {  	[sflag:s6] =	ssyncset.done $0x0  }
0x5a: {  	[sflag:s6] =	ssyncadd.s32 $0xFFFF6000  }
0x5b: {  	[tilespmem:s9], [sflag:$0x1] =	stream.indirect.gather [hbm4b:s2+s11], $0x40, s21, s11, $0xb8;
	[tilespmem:$0x16800] =	vst v63  }
0x5c: {  	_ =	swait.ge [sflag:s13], $0xA000  }
0x5d: {  	[sflag:s13] =	ssyncset.done $0x0  }
0x5e: {  	s0 =	rddreg [dreg:$0xa];
	[sflag:s13] =	ssyncadd.s32 $0xFFFF6000  }
0x5f: {  	[hbm4b:s0+s8] =	stream.strided.scatter [tilespmem:s5], [sflag:$0x4], $0xA000, s10, s8, $0x38;
	[tilespmem:$0x16800] =	vst v63  }
0x60: {  	_ =	swait.ge [sflag:s7], $0xA000  }
0x61: {  	[sflag:s7] =	ssyncset.done $0x0  }
0x62: {  	[sflag:s7] =	ssyncadd.s32 $0xFFFF6000  }
0x63: {  	[tilespmem:s5], [sflag:$0x2] =	stream.indirect.gather [hbm4b:s2+s11], $0x40, s20, s11, $0xb8;
	[tilespmem:$0x16800] =	vst v63  }
0x64: {  	_ =	swait.ge [sflag:s12], $0xA000  }
0x65: {  	[sflag:s12] =	ssyncset.done $0x0  }
0x66: {  	s0 =	rddreg [dreg:$0xb];
	[sflag:s12] =	ssyncadd.s32 $0xFFFF6000  }
0x67: {  	[hbm4b:s0+s8] =	stream.strided.scatter [tilespmem:s9], [sflag:$0x3], $0xA000, s10, s8, $0x38;
	[tilespmem:$0x16800] =	vst v63  }
0x68: {  	_ =	swait.ge [sflag:s6], $0xA000  }
0x69: {  	[sflag:s6] =	ssyncset.done $0x0  }
0x6a: {  	[sflag:s6] =	ssyncadd.s32 $0xFFFF6000  }
0x6b: {  	[tilespmem:s9], [sflag:$0x1] =	stream.indirect.gather [hbm4b:s2+s11], $0x40, s19, s11, $0xb8;
	[tilespmem:$0x16800] =	vst v63  }
0x6c: {  	_ =	swait.ge [sflag:s13], $0xA000  }
0x6d: {  	[sflag:s13] =	ssyncset.done $0x0  }
0x6e: {  	s0 =	rddreg [dreg:$0xc];
	[sflag:s13] =	ssyncadd.s32 $0xFFFF6000  }
0x6f: {  	[hbm4b:s0+s8] =	stream.strided.scatter [tilespmem:s5], [sflag:$0x4], $0xA000, s10, s8, $0x38;
	[tilespmem:$0x16800] =	vst v63  }
0x70: {  	_ =	swait.ge [sflag:s7], $0xA000  }
0x71: {  	[sflag:s7] =	ssyncset.done $0x0  }
0x72: {  	[sflag:s7] =	ssyncadd.s32 $0xFFFF6000  }
0x73: {  	[tilespmem:s5], [sflag:$0x2] =	stream.indirect.gather [hbm4b:s2+s11], $0x40, s18, s11, $0xb8;
	[tilespmem:$0x16800] =	vst v63  }
0x74: {  	_ =	swait.ge [sflag:s12], $0xA000  }
0x75: {  	[sflag:s12] =	ssyncset.done $0x0  }
0x76: {  	s0 =	rddreg [dreg:$0xd];
	[sflag:s12] =	ssyncadd.s32 $0xFFFF6000  }
0x77: {  	[hbm4b:s0+s8] =	stream.strided.scatter [tilespmem:s9], [sflag:$0x3], $0xA000, s10, s8, $0x38;
	[tilespmem:$0x16800] =	vst v63  }
0x78: {  	_ =	swait.ge [sflag:s6], $0xA000  }
0x79: {  	[sflag:s6] =	ssyncset.done $0x0  }
0x7a: {  	[sflag:s6] =	ssyncadd.s32 $0xFFFF6000  }
0x7b: {  	[tilespmem:s9], [sflag:$0x1] =	stream.indirect.gather [hbm4b:s2+s11], $0x40, s17, s11, $0xb8;
	[tilespmem:$0x16800] =	vst v63  }
0x7c: {  	_ =	swait.ge [sflag:s13], $0xA000  }
0x7d: {  	[sflag:s13] =	ssyncset.done $0x0  }
0x7e: {  	s0 =	rddreg [dreg:$0xe];
	[sflag:s13] =	ssyncadd.s32 $0xFFFF6000  }
0x7f: {  	[hbm4b:s0+s8] =	stream.strided.scatter [tilespmem:s5], [sflag:$0x4], $0xA000, s10, s8, $0x38;
	[tilespmem:$0x16800] =	vst v63  }
0x80: {  	_ =	swait.ge [sflag:s7], $0xA000  }
0x81: {  	[sflag:s7] =	ssyncset.done $0x0  }
0x82: {  	[sflag:s7] =	ssyncadd.s32 $0xFFFF6000  }
0x83: {  	[tilespmem:s5], [sflag:$0x2] =	stream.indirect.gather [hbm4b:s2+s11], $0x40, s16, s11, $0xb8;
	[tilespmem:$0x16800] =	vst v63  }
0x84: {  	_ =	swait.ge [sflag:s12], $0xA000  }
0x85: {  	[sflag:s12] =	ssyncset.done $0x0  }
0x86: {  	s0 =	rddreg [dreg:$0xf];
	[sflag:s12] =	ssyncadd.s32 $0xFFFF6000  }
0x87: {  	[hbm4b:s0+s8] =	stream.strided.scatter [tilespmem:s9], [sflag:$0x3], $0xA000, s10, s8, $0x38;
	[tilespmem:$0x16800] =	vst v63  }
0x88: {  	_ =	swait.ge [sflag:s6], $0xA000  }
0x89: {  	[sflag:s6] =	ssyncset.done $0x0  }
0x8a: {  	[sflag:s6] =	ssyncadd.s32 $0xFFFF6000  }
0x8b: {  	[tilespmem:s9], [sflag:$0x1] =	stream.indirect.gather [hbm4b:s2+s11], $0x40, s15, s11, $0xb8;
	[tilespmem:$0x16800] =	vst v63  }
0x8c: {  	_ =	swait.ge [sflag:s13], $0xA000  }
0x8d: {  	[sflag:s13] =	ssyncset.done $0x0  }
0x8e: {  	s0 =	rddreg [dreg:$0x10];
	[sflag:s13] =	ssyncadd.s32 $0xFFFF6000  }
0x8f: {  	[hbm4b:s0+s8] =	stream.strided.scatter [tilespmem:s5], [sflag:$0x4], $0xA000, s10, s8, $0x38;
	[tilespmem:$0x16800] =	vst v63  }
0x90: {  	_ =	swait.ge [sflag:s7], $0xA000  }
0x91: {  	[sflag:s7] =	ssyncset.done $0x0  }
0x92: {  	[sflag:s7] =	ssyncadd.s32 $0xFFFF6000  }
0x93: {  	[tilespmem:s5], [sflag:$0x2] =	stream.indirect.gather [hbm4b:s2+s11], $0x40, s14, s11, $0xb8;
	[tilespmem:$0x16800] =	vst v63  }
0x94: {  	_ =	swait.ge [sflag:s12], $0xA000  }
0x95: {  	[sflag:s12] =	ssyncset.done $0x0  }
0x96: {  	[sflag:s12] =	ssyncadd.s32 $0xFFFF6000  }
0x97: {  	[hbm4b:s4+s8] =	stream.strided.scatter [tilespmem:s9], [sflag:$0x3], $0xA000, s10, s8, $0x38;
	[tilespmem:$0x16800] =	vst v63  }
0x98: {  	_ =	swait.ge [sflag:s13], $0xA000  }
0x99: {  	[sflag:s13] =	ssyncset.done $0x0  }
0x9a: {  	p1 =	sne.s32 s1, $0x1;
	[sflag:s13] =	ssyncadd.s32 $0xFFFF6000  }
0x9b: {  	[hbm4b:s3+s8] =	stream.strided.scatter [tilespmem:s5], [sflag:$0x4], $0xA000, s10, s8, $0x38;
	[tilespmem:$0x16800] =	vst v63  }
.Ltmp1:
0x9c: {  	_ =	swait.ge [sflag:s6], $0xA000;
	(pc) =	sbr.rel @!p1 .LBB2_3-.Ltmp1, $4  }
0x9d: {  	[sflag:s6] =	ssyncset.done $0x0  }
0x9e: {  	[sflag:s6] =	ssyncadd.s32 $0xFFFF6000  }
0x9f: {  	s1 =	sadd.s32 $0xFFFFFFFF, s1;
	_ =	swait.ge [sflag:s7], $0xA000  }
0xa0: {  	p0 =	por $0x1, $0x1;
	s0 =	rddreg [dreg:$0x3];
	[sflag:s7] =	ssyncset.done $0x0  }
.LBB2_2:
0xa1: {  	[sflag:s7] =	ssyncadd.s32 $0xFFFF6000  }
0xa2: {  	[tilespmem:s22], [sflag:$0x5] =	stream.linear.gather [hbm4b:s0+s22], $0x2800, $0x38;
	[tilespmem:$0x16800] =	vst v63  }
0xa3: {  	_ =	swait.ge [sflag:s31], $0x2800  }
0xa4: {  	[sflag:s31] =	ssyncset.done $0x0  }
0xa5: {  	[sflag:s31] =	ssyncadd.s32 $0xFFFFD800  }
0xa6: {  	[tilespmem:s9], [sflag:$0x1] =	stream.indirect.gather [hbm4b:s2+s11], $0x40, s22, s11, $0xb8;
	[tilespmem:$0x16800] =	vst v63  }
0xa7: {  	_ = 	snop  }
0xa8: {  	[tilespmem:s5], [sflag:$0x2] =	stream.indirect.gather [hbm4b:s2+s11], $0x40, s11, s11, $0xb8;
	[tilespmem:$0x16800] =	vst v63  }
0xa9: {  	_ =	swait.ge [sflag:s12], $0xA000  }
0xaa: {  	[sflag:s12] =	ssyncset.done $0x0  }
0xab: {  	[sflag:s12] =	ssyncadd.s32 $0xFFFF6000  }
0xac: {  	[hbm4b:s23+s8] =	stream.strided.scatter [tilespmem:s9], [sflag:$0x3], $0xA000, s10, s8, $0x38;
	[tilespmem:$0x16800] =	vst v63  }
0xad: {  	_ =	swait.ge [sflag:s6], $0xA000  }
0xae: {  	[sflag:s6] =	ssyncset.done $0x0  }
0xaf: {  	[sflag:s6] =	ssyncadd.s32 $0xFFFF6000  }
0xb0: {  	[tilespmem:s9], [sflag:$0x1] =	stream.indirect.gather [hbm4b:s2+s11], $0x40, s30, s11, $0xb8;
	[tilespmem:$0x16800] =	vst v63  }
0xb1: {  	_ =	swait.ge [sflag:s13], $0xA000  }
0xb2: {  	[sflag:s13] =	ssyncset.done $0x0  }
0xb3: {  	s0 =	rddreg [dreg:$0x4];
	[sflag:s13] =	ssyncadd.s32 $0xFFFF6000  }
0xb4: {  	[hbm4b:s0+s8] =	stream.strided.scatter [tilespmem:s5], [sflag:$0x4], $0xA000, s10, s8, $0x38;
	[tilespmem:$0x16800] =	vst v63  }
0xb5: {  	_ =	swait.ge [sflag:s7], $0xA000  }
0xb6: {  	[sflag:s7] =	ssyncset.done $0x0  }
0xb7: {  	[sflag:s7] =	ssyncadd.s32 $0xFFFF6000  }
0xb8: {  	[tilespmem:s5], [sflag:$0x2] =	stream.indirect.gather [hbm4b:s2+s11], $0x40, s29, s11, $0xb8;
	[tilespmem:$0x16800] =	vst v63  }
0xb9: {  	_ =	swait.ge [sflag:s12], $0xA000  }
0xba: {  	[sflag:s12] =	ssyncset.done $0x0  }
0xbb: {  	s0 =	rddreg [dreg:$0x5];
	[sflag:s12] =	ssyncadd.s32 $0xFFFF6000  }
0xbc: {  	[hbm4b:s0+s8] =	stream.strided.scatter [tilespmem:s9], [sflag:$0x3], $0xA000, s10, s8, $0x38;
	[tilespmem:$0x16800] =	vst v63  }
0xbd: {  	_ =	swait.ge [sflag:s6], $0xA000  }
0xbe: {  	[sflag:s6] =	ssyncset.done $0x0  }
0xbf: {  	[sflag:s6] =	ssyncadd.s32 $0xFFFF6000  }
0xc0: {  	[tilespmem:s9], [sflag:$0x1] =	stream.indirect.gather [hbm4b:s2+s11], $0x40, s28, s11, $0xb8;
	[tilespmem:$0x16800] =	vst v63  }
0xc1: {  	_ =	swait.ge [sflag:s13], $0xA000  }
0xc2: {  	[sflag:s13] =	ssyncset.done $0x0  }
0xc3: {  	s0 =	rddreg [dreg:$0x6];
	[sflag:s13] =	ssyncadd.s32 $0xFFFF6000  }
0xc4: {  	[hbm4b:s0+s8] =	stream.strided.scatter [tilespmem:s5], [sflag:$0x4], $0xA000, s10, s8, $0x38;
	[tilespmem:$0x16800] =	vst v63  }
0xc5: {  	_ =	swait.ge [sflag:s7], $0xA000  }
0xc6: {  	[sflag:s7] =	ssyncset.done $0x0  }
0xc7: {  	[sflag:s7] =	ssyncadd.s32 $0xFFFF6000  }
0xc8: {  	[tilespmem:s5], [sflag:$0x2] =	stream.indirect.gather [hbm4b:s2+s11], $0x40, s26, s11, $0xb8;
	[tilespmem:$0x16800] =	vst v63  }
0xc9: {  	_ =	swait.ge [sflag:s12], $0xA000  }
0xca: {  	[sflag:s12] =	ssyncset.done $0x0  }
0xcb: {  	s0 =	rddreg [dreg:$0x7];
	[sflag:s12] =	ssyncadd.s32 $0xFFFF6000  }
0xcc: {  	[hbm4b:s0+s8] =	stream.strided.scatter [tilespmem:s9], [sflag:$0x3], $0xA000, s10, s8, $0x38;
	[tilespmem:$0x16800] =	vst v63  }
0xcd: {  	_ =	swait.ge [sflag:s6], $0xA000  }
0xce: {  	[sflag:s6] =	ssyncset.done $0x0  }
0xcf: {  	[sflag:s6] =	ssyncadd.s32 $0xFFFF6000  }
0xd0: {  	[tilespmem:s9], [sflag:$0x1] =	stream.indirect.gather [hbm4b:s2+s11], $0x40, s25, s11, $0xb8;
	[tilespmem:$0x16800] =	vst v63  }
0xd1: {  	_ =	swait.ge [sflag:s13], $0xA000  }
0xd2: {  	[sflag:s13] =	ssyncset.done $0x0  }
0xd3: {  	s0 =	rddreg [dreg:$0x8];
	[sflag:s13] =	ssyncadd.s32 $0xFFFF6000  }
0xd4: {  	[hbm4b:s0+s8] =	stream.strided.scatter [tilespmem:s5], [sflag:$0x4], $0xA000, s10, s8, $0x38;
	[tilespmem:$0x16800] =	vst v63  }
0xd5: {  	_ =	swait.ge [sflag:s7], $0xA000  }
0xd6: {  	[sflag:s7] =	ssyncset.done $0x0  }
0xd7: {  	[sflag:s7] =	ssyncadd.s32 $0xFFFF6000  }
0xd8: {  	[tilespmem:s5], [sflag:$0x2] =	stream.indirect.gather [hbm4b:s2+s11], $0x40, s24, s11, $0xb8;
	[tilespmem:$0x16800] =	vst v63  }
0xd9: {  	_ =	swait.ge [sflag:s12], $0xA000  }
0xda: {  	[sflag:s12] =	ssyncset.done $0x0  }
0xdb: {  	s0 =	rddreg [dreg:$0x9];
	[sflag:s12] =	ssyncadd.s32 $0xFFFF6000  }
0xdc: {  	[hbm4b:s0+s8] =	stream.strided.scatter [tilespmem:s9], [sflag:$0x3], $0xA000, s10, s8, $0x38;
	[tilespmem:$0x16800] =	vst v63  }
0xdd: {  	_ =	swait.ge [sflag:s6], $0xA000  }
0xde: {  	[sflag:s6] =	ssyncset.done $0x0  }
0xdf: {  	[sflag:s6] =	ssyncadd.s32 $0xFFFF6000  }
0xe0: {  	[tilespmem:s9], [sflag:$0x1] =	stream.indirect.gather [hbm4b:s2+s11], $0x40, s21, s11, $0xb8;
	[tilespmem:$0x16800] =	vst v63  }
0xe1: {  	_ =	swait.ge [sflag:s13], $0xA000  }
0xe2: {  	[sflag:s13] =	ssyncset.done $0x0  }
0xe3: {  	s0 =	rddreg [dreg:$0xa];
	[sflag:s13] =	ssyncadd.s32 $0xFFFF6000  }
0xe4: {  	[hbm4b:s0+s8] =	stream.strided.scatter [tilespmem:s5], [sflag:$0x4], $0xA000, s10, s8, $0x38;
	[tilespmem:$0x16800] =	vst v63  }
0xe5: {  	_ =	swait.ge [sflag:s7], $0xA000  }
0xe6: {  	[sflag:s7] =	ssyncset.done $0x0  }
0xe7: {  	[sflag:s7] =	ssyncadd.s32 $0xFFFF6000  }
0xe8: {  	[tilespmem:s5], [sflag:$0x2] =	stream.indirect.gather [hbm4b:s2+s11], $0x40, s20, s11, $0xb8;
	[tilespmem:$0x16800] =	vst v63  }
0xe9: {  	_ =	swait.ge [sflag:s12], $0xA000  }
0xea: {  	[sflag:s12] =	ssyncset.done $0x0  }
0xeb: {  	s0 =	rddreg [dreg:$0xb];
	[sflag:s12] =	ssyncadd.s32 $0xFFFF6000  }
0xec: {  	[hbm4b:s0+s8] =	stream.strided.scatter [tilespmem:s9], [sflag:$0x3], $0xA000, s10, s8, $0x38;
	[tilespmem:$0x16800] =	vst v63  }
0xed: {  	_ =	swait.ge [sflag:s6], $0xA000  }
0xee: {  	[sflag:s6] =	ssyncset.done $0x0  }
0xef: {  	[sflag:s6] =	ssyncadd.s32 $0xFFFF6000  }
0xf0: {  	[tilespmem:s9], [sflag:$0x1] =	stream.indirect.gather [hbm4b:s2+s11], $0x40, s19, s11, $0xb8;
	[tilespmem:$0x16800] =	vst v63  }
0xf1: {  	_ =	swait.ge [sflag:s13], $0xA000  }
0xf2: {  	[sflag:s13] =	ssyncset.done $0x0  }
0xf3: {  	s0 =	rddreg [dreg:$0xc];
	[sflag:s13] =	ssyncadd.s32 $0xFFFF6000  }
0xf4: {  	[hbm4b:s0+s8] =	stream.strided.scatter [tilespmem:s5], [sflag:$0x4], $0xA000, s10, s8, $0x38;
	[tilespmem:$0x16800] =	vst v63  }
0xf5: {  	_ =	swait.ge [sflag:s7], $0xA000  }
0xf6: {  	[sflag:s7] =	ssyncset.done $0x0  }
0xf7: {  	[sflag:s7] =	ssyncadd.s32 $0xFFFF6000  }
0xf8: {  	[tilespmem:s5], [sflag:$0x2] =	stream.indirect.gather [hbm4b:s2+s11], $0x40, s18, s11, $0xb8;
	[tilespmem:$0x16800] =	vst v63  }
0xf9: {  	_ =	swait.ge [sflag:s12], $0xA000  }
0xfa: {  	[sflag:s12] =	ssyncset.done $0x0  }
0xfb: {  	s0 =	rddreg [dreg:$0xd];
	[sflag:s12] =	ssyncadd.s32 $0xFFFF6000  }
0xfc: {  	[hbm4b:s0+s8] =	stream.strided.scatter [tilespmem:s9], [sflag:$0x3], $0xA000, s10, s8, $0x38;
	[tilespmem:$0x16800] =	vst v63  }
0xfd: {  	_ =	swait.ge [sflag:s6], $0xA000  }
0xfe: {  	[sflag:s6] =	ssyncset.done $0x0  }
0xff: {  	[sflag:s6] =	ssyncadd.s32 $0xFFFF6000  }
0x100: {  	[tilespmem:s9], [sflag:$0x1] =	stream.indirect.gather [hbm4b:s2+s11], $0x40, s17, s11, $0xb8;
	[tilespmem:$0x16800] =	vst v63  }
0x101: {  	_ =	swait.ge [sflag:s13], $0xA000  }
0x102: {  	[sflag:s13] =	ssyncset.done $0x0  }
0x103: {  	s0 =	rddreg [dreg:$0xe];
	[sflag:s13] =	ssyncadd.s32 $0xFFFF6000  }
0x104: {  	[hbm4b:s0+s8] =	stream.strided.scatter [tilespmem:s5], [sflag:$0x4], $0xA000, s10, s8, $0x38;
	[tilespmem:$0x16800] =	vst v63  }
0x105: {  	_ =	swait.ge [sflag:s7], $0xA000  }
0x106: {  	[sflag:s7] =	ssyncset.done $0x0  }
0x107: {  	[sflag:s7] =	ssyncadd.s32 $0xFFFF6000  }
0x108: {  	[tilespmem:s5], [sflag:$0x2] =	stream.indirect.gather [hbm4b:s2+s11], $0x40, s16, s11, $0xb8;
	[tilespmem:$0x16800] =	vst v63  }
0x109: {  	_ =	swait.ge [sflag:s12], $0xA000  }
0x10a: {  	[sflag:s12] =	ssyncset.done $0x0  }
0x10b: {  	s0 =	rddreg [dreg:$0xf];
	[sflag:s12] =	ssyncadd.s32 $0xFFFF6000  }
0x10c: {  	[hbm4b:s0+s8] =	stream.strided.scatter [tilespmem:s9], [sflag:$0x3], $0xA000, s10, s8, $0x38;
	[tilespmem:$0x16800] =	vst v63  }
0x10d: {  	_ =	swait.ge [sflag:s6], $0xA000  }
0x10e: {  	[sflag:s6] =	ssyncset.done $0x0  }
0x10f: {  	[sflag:s6] =	ssyncadd.s32 $0xFFFF6000  }
0x110: {  	[tilespmem:s9], [sflag:$0x1] =	stream.indirect.gather [hbm4b:s2+s11], $0x40, s15, s11, $0xb8;
	[tilespmem:$0x16800] =	vst v63  }
0x111: {  	_ =	swait.ge [sflag:s13], $0xA000  }
0x112: {  	[sflag:s13] =	ssyncset.done $0x0  }
0x113: {  	s0 =	rddreg [dreg:$0x10];
	[sflag:s13] =	ssyncadd.s32 $0xFFFF6000  }
0x114: {  	[hbm4b:s0+s8] =	stream.strided.scatter [tilespmem:s5], [sflag:$0x4], $0xA000, s10, s8, $0x38;
	[tilespmem:$0x16800] =	vst v63  }
0x115: {  	_ =	swait.ge [sflag:s7], $0xA000  }
0x116: {  	[sflag:s7] =	ssyncset.done $0x0  }
0x117: {  	[sflag:s7] =	ssyncadd.s32 $0xFFFF6000  }
0x118: {  	[tilespmem:s5], [sflag:$0x2] =	stream.indirect.gather [hbm4b:s2+s11], $0x40, s14, s11, $0xb8;
	[tilespmem:$0x16800] =	vst v63  }
0x119: {  	_ =	swait.ge [sflag:s12], $0xA000  }
0x11a: {  	[sflag:s12] =	ssyncset.done $0x0  }
0x11b: {  	[sflag:s12] =	ssyncadd.s32 $0xFFFF6000  }
0x11c: {  	[hbm4b:s4+s8] =	stream.strided.scatter [tilespmem:s9], [sflag:$0x3], $0xA000, s10, s8, $0x38;
	[tilespmem:$0x16800] =	vst v63  }
0x11d: {  	_ =	swait.ge [sflag:s13], $0xA000  }
0x11e: {  	[sflag:s13] =	ssyncset.done $0x0  }
0x11f: {  	p1 =	sne.s32 s1, $0x1;
	[sflag:s13] =	ssyncadd.s32 $0xFFFF6000  }
0x120: {  	[hbm4b:s3+s8] =	stream.strided.scatter [tilespmem:s5], [sflag:$0x4], $0xA000, s10, s8, $0x38;
	[tilespmem:$0x16800] =	vst v63  }
.Ltmp2:
0x121: {  	_ =	swait.ge [sflag:s6], $0xA000;
	(pc) =	sbr.rel @p1 .LBB2_2-.Ltmp2, $4  }
0x122: {  	[sflag:s6] =	ssyncset.done $0x0  }
0x123: {  	[sflag:s6] =	ssyncadd.s32 $0xFFFF6000  }
0x124: {  	_ =	swait.ge [sflag:s7], $0xA000  }
0x125: {  	s1 =	sadd.s32 $0xFFFFFFFF, s1;
	s0 =	rddreg [dreg:$0x3];
	[sflag:s7] =	ssyncset.done $0x0  }
.LBB2_3:
0x126: {  	[sflag:s7] =	ssyncadd.s32 @p0 $0xFFFF6000  }
0x127: {  	[tilespmem:s22], [sflag:$0x5] =	stream.linear.gather [hbm4b:s0+s22], $0x2800, $0x38;
	[tilespmem:$0x16800] =	vst v63  }
0x128: {  	_ =	swait.ge [sflag:s31], $0x2800  }
0x129: {  	[sflag:s31] =	ssyncset.done $0x0  }
0x12a: {  	[sflag:s31] =	ssyncadd.s32 $0xFFFFD800  }
0x12b: {  	[tilespmem:s9], [sflag:$0x1] =	stream.indirect.gather [hbm4b:s2+s11], $0x40, s22, s11, $0xb8;
	[tilespmem:$0x16800] =	vst v63  }
0x12c: {  	_ = 	snop  }
0x12d: {  	[tilespmem:s5], [sflag:$0x2] =	stream.indirect.gather [hbm4b:s2+s11], $0x40, s11, s11, $0xb8;
	[tilespmem:$0x16800] =	vst v63  }
0x12e: {  	_ =	swait.ge [sflag:s12], $0xA000  }
0x12f: {  	[sflag:s12] =	ssyncset.done $0x0  }
0x130: {  	[sflag:s12] =	ssyncadd.s32 $0xFFFF6000  }
0x131: {  	[hbm4b:s23+s8] =	stream.strided.scatter [tilespmem:s9], [sflag:$0x3], $0xA000, s10, s8, $0x38;
	[tilespmem:$0x16800] =	vst v63  }
0x132: {  	_ =	swait.ge [sflag:s6], $0xA000  }
0x133: {  	[sflag:s6] =	ssyncset.done $0x0  }
0x134: {  	[sflag:s6] =	ssyncadd.s32 $0xFFFF6000  }
0x135: {  	[tilespmem:s9], [sflag:$0x1] =	stream.indirect.gather [hbm4b:s2+s11], $0x40, s30, s11, $0xb8;
	[tilespmem:$0x16800] =	vst v63  }
0x136: {  	_ =	swait.ge [sflag:s13], $0xA000  }
0x137: {  	[sflag:s13] =	ssyncset.done $0x0  }
0x138: {  	s23 =	rddreg [dreg:$0x4];
	[sflag:s13] =	ssyncadd.s32 $0xFFFF6000  }
0x139: {  	[hbm4b:s23+s8] =	stream.strided.scatter [tilespmem:s5], [sflag:$0x4], $0xA000, s10, s8, $0x38;
	[tilespmem:$0x16800] =	vst v63  }
0x13a: {  	_ =	swait.ge [sflag:s7], $0xA000  }
0x13b: {  	[sflag:s7] =	ssyncset.done $0x0  }
0x13c: {  	[sflag:s7] =	ssyncadd.s32 $0xFFFF6000  }
0x13d: {  	[tilespmem:s5], [sflag:$0x2] =	stream.indirect.gather [hbm4b:s2+s11], $0x40, s29, s11, $0xb8;
	[tilespmem:$0x16800] =	vst v63  }
0x13e: {  	_ =	swait.ge [sflag:s12], $0xA000  }
0x13f: {  	[sflag:s12] =	ssyncset.done $0x0  }
0x140: {  	s29 =	rddreg [dreg:$0x5];
	[sflag:s12] =	ssyncadd.s32 $0xFFFF6000  }
0x141: {  	[hbm4b:s29+s8] =	stream.strided.scatter [tilespmem:s9], [sflag:$0x3], $0xA000, s10, s8, $0x38;
	[tilespmem:$0x16800] =	vst v63  }
0x142: {  	_ =	swait.ge [sflag:s6], $0xA000  }
0x143: {  	[sflag:s6] =	ssyncset.done $0x0  }
0x144: {  	[sflag:s6] =	ssyncadd.s32 $0xFFFF6000  }
0x145: {  	[tilespmem:s9], [sflag:$0x1] =	stream.indirect.gather [hbm4b:s2+s11], $0x40, s28, s11, $0xb8;
	[tilespmem:$0x16800] =	vst v63  }
0x146: {  	_ =	swait.ge [sflag:s13], $0xA000  }
0x147: {  	[sflag:s13] =	ssyncset.done $0x0  }
0x148: {  	s30 =	rddreg [dreg:$0x6];
	[sflag:s13] =	ssyncadd.s32 $0xFFFF6000  }
0x149: {  	[hbm4b:s30+s8] =	stream.strided.scatter [tilespmem:s5], [sflag:$0x4], $0xA000, s10, s8, $0x38;
	[tilespmem:$0x16800] =	vst v63  }
0x14a: {  	_ =	swait.ge [sflag:s7], $0xA000  }
0x14b: {  	[sflag:s7] =	ssyncset.done $0x0  }
0x14c: {  	[sflag:s7] =	ssyncadd.s32 $0xFFFF6000  }
0x14d: {  	[tilespmem:s5], [sflag:$0x2] =	stream.indirect.gather [hbm4b:s2+s11], $0x40, s26, s11, $0xb8;
	[tilespmem:$0x16800] =	vst v63  }
0x14e: {  	_ =	swait.ge [sflag:s12], $0xA000  }
0x14f: {  	[sflag:s12] =	ssyncset.done $0x0  }
0x150: {  	s31 =	rddreg [dreg:$0x7];
	[sflag:s12] =	ssyncadd.s32 $0xFFFF6000  }
0x151: {  	[hbm4b:s31+s8] =	stream.strided.scatter [tilespmem:s9], [sflag:$0x3], $0xA000, s10, s8, $0x38;
	[tilespmem:$0x16800] =	vst v63  }
0x152: {  	_ =	swait.ge [sflag:s6], $0xA000  }
0x153: {  	[sflag:s6] =	ssyncset.done $0x0  }
0x154: {  	[sflag:s6] =	ssyncadd.s32 $0xFFFF6000  }
0x155: {  	[tilespmem:s9], [sflag:$0x1] =	stream.indirect.gather [hbm4b:s2+s11], $0x40, s25, s11, $0xb8;
	[tilespmem:$0x16800] =	vst v63  }
0x156: {  	_ =	swait.ge [sflag:s13], $0xA000  }
0x157: {  	[sflag:s13] =	ssyncset.done $0x0  }
0x158: {  	s1 =	rddreg [dreg:$0x8];
	[sflag:s13] =	ssyncadd.s32 $0xFFFF6000  }
0x159: {  	[hbm4b:s1+s8] =	stream.strided.scatter [tilespmem:s5], [sflag:$0x4], $0xA000, s10, s8, $0x38;
	[tilespmem:$0x16800] =	vst v63  }
0x15a: {  	_ =	swait.ge [sflag:s7], $0xA000  }
0x15b: {  	[sflag:s7] =	ssyncset.done $0x0  }
0x15c: {  	[sflag:s7] =	ssyncadd.s32 $0xFFFF6000  }
0x15d: {  	[tilespmem:s5], [sflag:$0x2] =	stream.indirect.gather [hbm4b:s2+s11], $0x40, s24, s11, $0xb8;
	[tilespmem:$0x16800] =	vst v63  }
0x15e: {  	_ =	swait.ge [sflag:s12], $0xA000  }
0x15f: {  	[sflag:s12] =	ssyncset.done $0x0  }
0x160: {  	s22 =	rddreg [dreg:$0x9];
	[sflag:s12] =	ssyncadd.s32 $0xFFFF6000  }
0x161: {  	[hbm4b:s22+s8] =	stream.strided.scatter [tilespmem:s9], [sflag:$0x3], $0xA000, s10, s8, $0x38;
	[tilespmem:$0x16800] =	vst v63  }
0x162: {  	_ =	swait.ge [sflag:s6], $0xA000  }
0x163: {  	[sflag:s6] =	ssyncset.done $0x0  }
0x164: {  	[sflag:s6] =	ssyncadd.s32 $0xFFFF6000  }
0x165: {  	[tilespmem:s9], [sflag:$0x1] =	stream.indirect.gather [hbm4b:s2+s11], $0x40, s21, s11, $0xb8;
	[tilespmem:$0x16800] =	vst v63  }
0x166: {  	_ =	swait.ge [sflag:s13], $0xA000  }
0x167: {  	[sflag:s13] =	ssyncset.done $0x0  }
0x168: {  	s23 =	rddreg [dreg:$0xa];
	[sflag:s13] =	ssyncadd.s32 $0xFFFF6000  }
0x169: {  	[hbm4b:s23+s8] =	stream.strided.scatter [tilespmem:s5], [sflag:$0x4], $0xA000, s10, s8, $0x38;
	[tilespmem:$0x16800] =	vst v63  }
0x16a: {  	_ =	swait.ge [sflag:s7], $0xA000  }
0x16b: {  	[sflag:s7] =	ssyncset.done $0x0  }
0x16c: {  	[sflag:s7] =	ssyncadd.s32 $0xFFFF6000  }
0x16d: {  	[tilespmem:s5], [sflag:$0x2] =	stream.indirect.gather [hbm4b:s2+s11], $0x40, s20, s11, $0xb8;
	[tilespmem:$0x16800] =	vst v63  }
0x16e: {  	_ =	swait.ge [sflag:s12], $0xA000  }
0x16f: {  	[sflag:s12] =	ssyncset.done $0x0  }
0x170: {  	s24 =	rddreg [dreg:$0xb];
	[sflag:s12] =	ssyncadd.s32 $0xFFFF6000  }
0x171: {  	[hbm4b:s24+s8] =	stream.strided.scatter [tilespmem:s9], [sflag:$0x3], $0xA000, s10, s8, $0x38;
	[tilespmem:$0x16800] =	vst v63  }
0x172: {  	_ =	swait.ge [sflag:s6], $0xA000  }
0x173: {  	[sflag:s6] =	ssyncset.done $0x0  }
0x174: {  	[sflag:s6] =	ssyncadd.s32 $0xFFFF6000  }
0x175: {  	[tilespmem:s9], [sflag:$0x1] =	stream.indirect.gather [hbm4b:s2+s11], $0x40, s19, s11, $0xb8;
	[tilespmem:$0x16800] =	vst v63  }
0x176: {  	_ =	swait.ge [sflag:s13], $0xA000  }
0x177: {  	[sflag:s13] =	ssyncset.done $0x0  }
0x178: {  	s25 =	rddreg [dreg:$0xc];
	[sflag:s13] =	ssyncadd.s32 $0xFFFF6000  }
0x179: {  	[hbm4b:s25+s8] =	stream.strided.scatter [tilespmem:s5], [sflag:$0x4], $0xA000, s10, s8, $0x38;
	[tilespmem:$0x16800] =	vst v63  }
0x17a: {  	_ =	swait.ge [sflag:s7], $0xA000  }
0x17b: {  	[sflag:s7] =	ssyncset.done $0x0  }
0x17c: {  	[sflag:s7] =	ssyncadd.s32 $0xFFFF6000  }
0x17d: {  	[tilespmem:s5], [sflag:$0x2] =	stream.indirect.gather [hbm4b:s2+s11], $0x40, s18, s11, $0xb8;
	[tilespmem:$0x16800] =	vst v63  }
0x17e: {  	_ =	swait.ge [sflag:s12], $0xA000  }
0x17f: {  	[sflag:s12] =	ssyncset.done $0x0  }
0x180: {  	s26 =	rddreg [dreg:$0xd];
	[sflag:s12] =	ssyncadd.s32 $0xFFFF6000  }
0x181: {  	[hbm4b:s26+s8] =	stream.strided.scatter [tilespmem:s9], [sflag:$0x3], $0xA000, s10, s8, $0x38;
	[tilespmem:$0x16800] =	vst v63  }
0x182: {  	_ =	swait.ge [sflag:s6], $0xA000  }
0x183: {  	[sflag:s6] =	ssyncset.done $0x0  }
0x184: {  	[sflag:s6] =	ssyncadd.s32 $0xFFFF6000  }
0x185: {  	[tilespmem:s9], [sflag:$0x1] =	stream.indirect.gather [hbm4b:s2+s11], $0x40, s17, s11, $0xb8;
	[tilespmem:$0x16800] =	vst v63  }
0x186: {  	_ =	swait.ge [sflag:s13], $0xA000  }
0x187: {  	[sflag:s13] =	ssyncset.done $0x0  }
0x188: {  	s28 =	rddreg [dreg:$0xe];
	[sflag:s13] =	ssyncadd.s32 $0xFFFF6000  }
0x189: {  	[hbm4b:s28+s8] =	stream.strided.scatter [tilespmem:s5], [sflag:$0x4], $0xA000, s10, s8, $0x38;
	[tilespmem:$0x16800] =	vst v63  }
0x18a: {  	_ =	swait.ge [sflag:s7], $0xA000  }
0x18b: {  	[sflag:s7] =	ssyncset.done $0x0  }
0x18c: {  	[sflag:s7] =	ssyncadd.s32 $0xFFFF6000  }
0x18d: {  	[tilespmem:s5], [sflag:$0x2] =	stream.indirect.gather [hbm4b:s2+s11], $0x40, s16, s11, $0xb8;
	[tilespmem:$0x16800] =	vst v63  }
0x18e: {  	_ =	swait.ge [sflag:s12], $0xA000  }
0x18f: {  	[sflag:s12] =	ssyncset.done $0x0  }
0x190: {  	s29 =	rddreg [dreg:$0xf];
	[sflag:s12] =	ssyncadd.s32 $0xFFFF6000  }
0x191: {  	[hbm4b:s29+s8] =	stream.strided.scatter [tilespmem:s9], [sflag:$0x3], $0xA000, s10, s8, $0x38;
	[tilespmem:$0x16800] =	vst v63  }
0x192: {  	_ =	swait.ge [sflag:s6], $0xA000  }
0x193: {  	[sflag:s6] =	ssyncset.done $0x0  }
0x194: {  	[sflag:s6] =	ssyncadd.s32 $0xFFFF6000  }
0x195: {  	[tilespmem:s9], [sflag:$0x1] =	stream.indirect.gather [hbm4b:s2+s11], $0x40, s15, s11, $0xb8;
	[tilespmem:$0x16800] =	vst v63  }
0x196: {  	_ =	swait.ge [sflag:s13], $0xA000  }
0x197: {  	[sflag:s13] =	ssyncset.done $0x0  }
0x198: {  	s30 =	rddreg [dreg:$0x10];
	[sflag:s13] =	ssyncadd.s32 $0xFFFF6000  }
0x199: {  	[hbm4b:s30+s8] =	stream.strided.scatter [tilespmem:s5], [sflag:$0x4], $0xA000, s10, s8, $0x38;
	[tilespmem:$0x16800] =	vst v63  }
0x19a: {  	_ =	swait.ge [sflag:s7], $0xA000  }
0x19b: {  	[sflag:s7] =	ssyncset.done $0x0  }
0x19c: {  	[sflag:s7] =	ssyncadd.s32 $0xFFFF6000  }
0x19d: {  	[tilespmem:s5], [sflag:$0x2] =	stream.indirect.gather [hbm4b:s2+s11], $0x40, s14, s11, $0xb8;
	[tilespmem:$0x16800] =	vst v63  }
0x19e: {  	_ =	swait.ge [sflag:s12], $0xA000  }
0x19f: {  	[sflag:s12] =	ssyncset.done $0x0  }
0x1a0: {  	[sflag:s12] =	ssyncadd.s32 $0xFFFF6000  }
0x1a1: {  	[hbm4b:s4+s8] =	stream.strided.scatter [tilespmem:s9], [sflag:$0x3], $0xA000, s10, s8, $0x38;
	[tilespmem:$0x16800] =	vst v63  }
0x1a2: {  	_ =	swait.ge [sflag:s13], $0xA000  }
0x1a3: {  	[sflag:s13] =	ssyncset.done $0x0  }
0x1a4: {  	[sflag:s13] =	ssyncadd.s32 $0xFFFF6000  }
0x1a5: {  	[hbm4b:s3+s8] =	stream.strided.scatter [tilespmem:s5], [sflag:$0x4], $0xA000, s10, s8, $0x38;
	[tilespmem:$0x16800] =	vst v63  }
0x1a6: {  	_ =	swait.ge [sflag:s6], $0xA000  }
0x1a7: {  	[sflag:s6] =	ssyncset.done $0x0  }
0x1a8: {  	[sflag:s6] =	ssyncadd.s32 $0xFFFF6000  }
0x1a9: {  	_ =	swait.ge [sflag:s7], $0xA000  }
0x1aa: {  	[sflag:s7] =	ssyncset.done $0x0  }
0x1ab: {  	[sflag:s7] =	ssyncadd.s32 $0xFFFF6000  }
0x1ac: {  	_ =	sfence.sel $0x180000  }
0x1ad: {  	[bflag:$0x0] =	sbarrier.arrive $0xFFFF  }
0x1ae: {  	_ =	strace $0x9000004A  }
0x1af: {  	s31 =	stileid.u32;
	[bflag:$0x2] =	sbarrier.arrive $0xFFFF  }
0x1b0: {  	p0 =	sne.s32 s31, $0x0;
	s0 =	rddreg [dreg:$0x2]  }
0x1b1: {  	s0 =	sadd.s32 @!p0 $0x100000, s0  }
0x1b2: {  	[sflag:s0] =	ssyncadd.tile.s32 @!p0 $0x1;
	_ =	shalt  }
.Lfunc_end2:
_tile_overlayer_lowered:
.L_overlay_start_2:
0x1b3: {  	(tag) =	ssettag $0x2  }
0x1b4: {  	s0 =	rddreg [dreg:$0x0];
	s2 =	stileid.u32  }
0x1b5: {  	s1 =	rddreg [dreg:$0x1];
	p0 =	sne.s32 s2, $0x0  }
0x1b6: {  	s3 =	rddreg [dreg:$0x2];
	[bflag:$0x3] =	sbarrier.arrive $0xFFFF;
	s2 =	simm.s32 @!p0 $0x1C05  }
0x1b7: {  	[timem:s3], [sflag:s2] =	dma.local @!p0 [hbm:s0], s1  }
0x1b8: {  	s0 =	simm.s32 @!p0 $0x5  }
0x1b9: {  	_ =	swait.ge @!p0 [sflag:s0], s1  }
0x1ba: {  	s1 =	ssub.s32 @!p0 $0x0, s1;
	[sflag:s0] =	ssyncset.done @!p0 $0x0  }
0x1bb: {  	[sflag:s0] =	ssyncadd.s32 @!p0 s1  }
0x1bc: {  	[bflag:$0x3] =	sbarrier.arrive $0xFFFF  }
0x1bd: {  	_ =	shalt  }

// kernel: sparse-core-data-format-call.1.cloned.1.call-start
scs
called_computation.1_lowered:
.L_overlay_start_0:
0x0: {  	s2 =	sld [smem:$0x3FD9]  }
0x1: {  	s3 =	sld [smem:$0x3FFE];
	_ =	sdelay $0x1  }
0x2: {  	s1 =	srdreg.scid  }
0x3: {  	s0 =	sand.u32 $0x1, s1  }
0x4: {  	s18 =	sshll.u32 s0, $0xA;
	s2 =	sadd.s32 s3, s2  }
0x5: {  	s2 =	sadd.s32 s2, s18  }
0x6: {  	[smem:$0x3FC6] =	sst s2  }
0x7: {  	_ = 	snop  }
0x8: {  	s2 =	sld [smem:$0x3FC8];
	(tm) =	ssettm $0x1  }
0x9: {  	s19 =	sld [smem:$0x3FFB];
	_ =	sdelay $0x3  }
0xa: {  	_ =	strace s19  }
0xb: {  	s3 =	sld [smem:$0x3FFC];
	_ =	sdelay $0x3  }
0xc: {  	_ =	strace s3  }
0xd: {  	s3 =	sld [smem:$0x3FFD];
	_ =	sdelay $0x3  }
0xe: {  	_ =	strace s3  }
0xf: {  	_ =	strace $0x8FFFFFFF  }
0x10: {  	s20 =	sld [smem:$0x3FDB];
	_ =	sdelay $0x1  }
0x11: {  	s4 =	simm.s32 $_scs_section_size  }
0x12: {  	s5 =	simm.s32 $_size__tile_overlayer_lowered;
	s6 =	simm.s32 $_tile_overlayer_lowered  }
0x13: {  	s23 =	simm.s32 $0x1BFF;
	s22 =	sshll.u32 s6, $0x1;
	s3 =	sadd.s32 s4, s20  }
0x14: {  	s7 =	simm.s32 $0x0;
	s21 =	sshll.u32 s5, $0x1;
	s5 =	sadd.s32 s22, s3  }
0x15: {  	[timem:s7], [sflag:s23] =	dma.local [hbm:s5], s21  }
0x16: {  	_ =	swait.ge [sflag:s23], s21  }
0x17: {  	s4 =	ssub.s32 $0x0, s21;
	[sflag:s23] =	ssyncset.done $0x0  }
0x18: {  	[sflag:s23] =	ssyncadd.s32 s4;
	_ =	sdelay $0x1  }
0x19: {  	s24 =	simm.s32 $0x1B8B  }
0x1a: {  	_ =	swait.ge [sflag:s24], $0x1  }
0x1b: {  	[sflag:s24] =	ssyncset.done $0x0  }
0x1c: {  	s26 =	simm.s32 $0x1B8E;
	s25 =	sld [smem:$0x3FFE];
	[sflag:s24] =	ssyncadd.s32 $0xFFFFFFFF  }
0x1d: {  	s27 =	simm.s32 $execute0_lowered;
	[smem:$0x3FD2] =	sst s26  }
0x1e: {  	s5 =	sshll.u32 s27, $0x1;
	_ =	strace $0x80000046;
	[dreg:$0x1] =	wrdreg $0xFFFFFFFF  }
0x1f: {  	s28 =	simm.s32 $_size_execute0_lowered;
	s3 =	sadd.s32 s3, s5;
	[dreg:$0x0] =	wrdreg $0x0  }
0x20: {  	s5 =	sshll.u32 s28, $0x1;
	[dreg:$0x2] =	wrdreg s3  }
0x21: {  	[dreg:$0x3] =	wrdreg s5  }
0x22: {  	[dreg:$0x4] =	wrdreg $0xC0  }
0x23: {  	_ =	task [dreg:s7], $0x5FFFF  }
0x24: {  	[dreg:$0x1] =	wrdreg $0xFFFFFFFF  }
0x25: {  	[dreg:$0x0] =	wrdreg $0x60  }
0x26: {  	[dreg:$0x2] =	wrdreg s2  }
0x27: {  	[dreg:$0x3] =	wrdreg s25  }
0x28: {  	[dreg:$0x4] =	wrdreg $0x9  }
0x29: {  	_ =	task.clear_ibuf [dreg:s7], $0x5FFFF;
	_ =	strace $0x90000046  }
0x2a: {  	s29 =	simm.s32 $0x9;
	_ =	strace $0x80000048  }
0x2b: {  	_ =	swait.ge [sflag:s29], $0x1  }
0x2c: {  	[sflag:s29] =	ssyncadd.s32 $0xFFFFFFFF  }
0x2d: {  	_ =	strace $0x90000048  }
0x2e: {  	_ =	sfence  }
0x2f: {  	s30 =	sld [smem:$0x0];
	_ =	sdelay $0x2  }
0x30: {  	s31 =	sshll.u32 s1, $0xD;
	s1 =	sshrl.u32 s1, $0x2  }
0x31: {  	s3 =	sand.u32 $0x4000, s31;
	s1 =	sadd.s32 s1, s30  }
0x32: {  	s0 =	sor.u32 s3, s0;
	s1 =	sshll.u32 s1, $0x11  }
0x33: {  	s0 =	sor.u32 s1, s0  }
0x34: {  	s0 =	sadd.s32 $0x8F2B, s0  }
0x35: {  	[sflag:s0] =	ssyncadd.remote.s32 $0x1  }
0x36: {  	_ =	sfence.sel $0xFFFF  }
0x37: {  	[dreg:$0x0] =	wrdreg $0xFFFFFFFF;
	(pc) =	sbr.abs _section_cstart, $3  }
0x38: {  	[dreg:$0x1] =	wrdreg $0xFFFFFFFF  }
0x39: {  	_ =	task.clear_ibuf [dreg:s7], $0x2FFFF;
	_ =	strace $0x9FFFFFFF  }
0x3a: {  	(tm) =	ssettm $0x7FFFFFFF  }
0x3b: {  	_ =	shalt  }
tec
execute0_lowered:
.L_overlay_start_1:
0x0: {  	(tag) =	ssettag $0x1  }
0x1: {  	s0 =	srdreg.scid;
	s2 =	rddreg [dreg:$0x0]  }
0x2: {  	s5 =	rddreg [dreg:$0x1];
	s1 =	stileid.u32  }
0x3: {  	s4 =	simm.s32 $0x1;
	s6 =	simm.s32 $0x2;
	s15 =	simm.s32 $0x0  }
0x4: {  	p0 =	por $0x0, $0x0;
	s8 =	simm.s32 $0x80;
	s0 =	sshll.u32 s0, $0x4  }
0x5: {  	s14 =	simm.s32 $0x0;
	s9 =	simm.s32 $0x0;
	s3 =	sand.u32 $0x10, s0  }
.Ltmp0:
0x6: {  	s10 =	simm.s32 $0x0;
	s3 =	sor.u32 s1, s3;
	(pc) =	sbr.rel .LBB1_1-.Ltmp0, $4  }
0x7: {  	s0 =	rddreg [dreg:$0x2];
	_ =	strace $0x80000047;
	s3 =	sshll.u32 s3, $0x7  }
0x8: {  	s12 =	simm.s32 $0x0;
	[sflag:s4] =	ssyncpa.u1 $0x0;
	s7 =	ssub.s32 $0xF4200, s3  }
0x9: {  	s13 =	simm.s32 $0x0;
	[sflag:s6] =	ssyncpa.u1 $0x0;
	s6 =	sshrl.u32 s7, $0xC  }
0xa: {  	s5 =	sadd.s32 $0xE00, s5;
	s11 =	smov.u32 s3;
	s7 =	sadd.s32 $0x2, s6  }
.LBB1_5:
0xb: {  	p1 =	slt.u32 s13, $0x2  }
0xc: {  	s17 =	smov.u32 s15;
	p2 =	sgt.s32 @!p1 s15, $0xF41C0;
	s16 =	sshra.s32 @!p1 s15, $0x1F  }
0xd: {  	p3 =	sgt.s32 @!p1 s14, $0x40;
	s18 =	sshra.s32 @!p1 s14, $0x1F;
	p2 =	por !p2, p1  }
0xe: {  	s15 =	sand.u32 @!p1 s16, s15;
	p3 =	por !p3, p1;
	s16 =	smov.u32 s14  }
0xf: {  	s14 =	sand.u32 @!p1 s18, s14;
	s17 =	simm.s32 @p2 $0xF41C0;
	s16 =	simm.s32 @p3 $0x40  }
0x10: {  	s15 =	ssub.s32 @!p1 s17, s15;
	s14 =	ssub.s32 @!p1 s16, s14  }
0x11: {  	s18 =	smov.u32 s12;
	s16 =	sadd.s32 @!p1 $0xFFF0BE40, s15;
	s17 =	sadd.s32 @!p1 $0xFFFFFFC0, s14  }
0x12: {  	s15 =	ssub.s32 @!p1 $0xF4240, s15;
	p2 =	sgt.s32 @!p1 s16, $0x7F;
	p3 =	sgt.s32 @!p1 s17, $0x3F  }
0x13: {  	s14 =	ssub.s32 @!p1 $0x80, s14;
	p2 =	por !p2, p1;
	p3 =	por !p3, p1  }
0x14: {  	s16 =	sadd.s32 $0x1000, s11;
	s15 =	simm.s32 @!p2 $0x0;
	s14 =	simm.s32 @!p3 $0x0  }
0x15: {  	p2 =	sgt.s32 s16, $0xF423F;
	s14 =	smul.u32 @!p1 s14, s15;
	s15 =	sadd.s32 $0x40, s12  }
0x16: {  	s18 =	smov.u32 @p2 s15  }
0x17: {  	s16 =	smov.u32 @p2 s3;
	p2 =	sgt.s32 s18, $0x3F  }
0x18: {  	s18 =	simm.s32 @p2 $0x0;
	p2 =	sne.s32 s13, s7  }
.Ltmp1:
0x19: {  	p0 =	por !p0, !p0;
	s17 =	simm.s32 @!p1 $0x2;
	(pc) =	sbr.rel @!p2 .LBB1_6-.Ltmp1, $4  }
0x1a: {  	s15 =	smov.u32 s9;
	s9 =	smov.u32 s11;
	s14 =	sand.u32 @!p1 $0x3FFFFFFF, s14  }
0x1b: {  	s11 =	smov.u32 s16;
	_ =	swait.ge @!p1 [sflag:s17], s14;
	s19 =	ssub.s32 @!p1 $0x0, s14  }
0x1c: {  	s14 =	smov.u32 s10;
	s13 =	sadd.s32 $0x1, s13;
	[sflag:s17] =	ssyncset.done @!p1 $0x0  }
0x1d: {  	s10 =	smov.u32 s12;
	s12 =	smov.u32 s18;
	[sflag:s17] =	ssyncadd.s32 @!p1 s19  }
.LBB1_1:
0x1e: {  	p1 =	sgt.u32 s13, s6  }
0x1f: {  	s16 =	sshrl.u32 @!p1 s12, $0x3  }
0x20: {  	s17 =	sshll.u32 @!p1 s11, $0x3;
	s16 =	smul.u32 @!p1 $0x7A1400, s16  }
0x21: {  	s18 =	sshll.u32 @!p1 s12, $0x7;
	s17 =	sand.u32 @!p1 $0xFFFFFC00, s17  }
0x22: {  	s16 =	sadd.s32 @!p1 s16, s17;
	s17 =	sand.u32 @!p1 $0x380, s18  }
0x23: {  	s18 =	sand.u32 @!p1 $0x7F, s11;
	s16 =	sor.u32 @!p1 s17, s16  }
0x24: {  	s17 =	sor.u32 @!p1 s18, s16  }
0x25: {  	s18 =	smulhi.u32 @!p1 $0x218D6287, s17;
	_ =	sdelay $0x1  }
0x26: {  	s16 =	smulhi.u32 @!p1 $0x218D6287, s16;
	s18 =	sshrl.u32 @!p1 s18, $0x11  }
0x27: {  	s18 =	smul.u32 @!p1 $0xF4280, s18  }
0x28: {  	s19 =	sxor.u32 @!p1 $0xFFFFFFFF, s13;
	s16 =	sshrl.u32 @!p1 s16, $0x11  }
0x29: {  	s19 =	sshll.u32 @!p1 s19, $0xD;
	s16 =	sand.u32 @!p1 $0x3F, s16;
	s17 =	ssub.s32 @!p1 s17, s18  }
0x2a: {  	s16 =	smul.u32 @!p1 $0x1E850, s16;
	s18 =	sshrl.u32 @!p1 s17, $0x3;
	s17 =	sand.u32 @!p1 $0x7, s17  }
0x2b: {  	s19 =	sand.u32 @!p1 $0x2000, s19;
	s18 =	sadd.s32 @!p1 s2, s18;
	s17 =	sshll.u32 @!p1 s17, $0x12  }
0x2c: {  	s16 =	sadd.s32 @!p1 s16, s18;
	s17 =	sor.u32 @!p1 $0x400, s17;
	s18 =	simm.s32 @!p1 $0x7A1400  }
0x2d: {  	[tilespmem:s19], [sflag:$0x1] =	stream.strided.gather @!p1 [hbm4b:s16+s17], $0x2000, s18, s17, $0x38;
	[tilespmem:$0x8100] =	vst v63  }
0x2e: {  	p1 =	seq.s32 s13, $0x0  }
0x2f: {  	p2 =	sge.u32 @!p1 s13, s7  }
0x30: {  	p1 =	por p1, p2  }
.Ltmp2:
0x31: {  	_ = 	snop;
	(pc) =	sbr.rel @p1 .LBB1_5-.Ltmp2, $1  }
0x32: {  	_ =	sdelay $0x3  }
0x33: {  	s16 =	simm.s32 $0x1  }
0x34: {  	_ =	swait.ge [sflag:s4], $0x2000;
	s16 =	simm.s32 @!p0 $0x0  }
0x35: {  	[sflag:s4] =	ssyncset.done $0x0;
	s17 =	sshll.u32 s16, $0xD  }
0x36: {  	[sflag:s4] =	ssyncadd.s32 $0xFFFFE000;
	s17 =	sor.u32 $0x40, s17  }
0x37: {  	s16 =	smul.u32 $0x8200, s16;
	v0 =	vld [tilespmem:s17+$0x30]  }
0x38: {  	v1 =	vld [tilespmem:s17+$0xFFFFFFD0]  }
0x39: {  	s16 =	sshrl.u32 s16, $0x2;
	v5 =	vld [tilespmem:s17+$0xFFFFFFE0]  }
0x3a: {  	v6 =	vld [tilespmem:s17+$0xFFFFFFF0];
	s19 =	sor.u32 $0x4000, s16  }
0x3b: {  	s31 =	sand.u32 $0x1, s13;
	v4 =	vld [tilespmem:s17+$0x0];
	s18 =	sadd.s32 $0x0, s19  }
0x3c: {  	v3 =	vld [tilespmem:s17+$0x10];
	s16 =	smul.u32 $0x8200, s31;
	[tilespmem:s18+$0x1C70 ss:$0x41] =	vst.msk $0xffff, v0  }
0x3d: {  	v2 =	vld [tilespmem:s17+$0x20];
	[tilespmem:s18+$0x410 ss:$0x41] =	vst.msk $0xffff, v1  }
0x3e: {  	s16 =	sshrl.u32 s16, $0x2;
	v1 =	vld [tilespmem:s17+$0xFFFFFFC0];
	[tilespmem:s18+$0x820 ss:$0x41] =	vst.msk $0xffff, v5;
	s17 =	sadd.s32 $0x80, s17  }
0x3f: {  	s20 =	simm.s32 $0x4;
	s21 =	simm.s32 $0x8;
	s16 =	sor.u32 $0x4000, s16;
	[tilespmem:s18+$0xC30 ss:$0x41] =	vst.msk $0xffff, v6;
	v0 =	vld [tilespmem:s17+$0x30]  }
.LBB1_3:
0x40: {  	p1 =	sne.s32 s21, $0xFC;
	v5 =	vld [tilespmem:s17+$0xFFFFFFD0];
	[tilespmem:s18+$0x1040 ss:$0x41] =	vst.msk $0xffff, v4  }
0x41: {  	v6 =	vld [tilespmem:s17+$0xFFFFFFE0];
	[tilespmem:s18+$0x1450 ss:$0x41] =	vst.msk $0xffff, v3  }
0x42: {  	s22 =	sshra.s32 s20, $0x2;
	s20 =	smov.u32 s21;
	v7 =	vld [tilespmem:s17+$0xFFFFFFF0];
	[tilespmem:s18+$0x1860 ss:$0x41] =	vst.msk $0xffff, v2  }
.Ltmp3:
0x43: {  	v4 =	vld [tilespmem:s17+$0x0];
	[tilespmem:s18+$0x0 ss:$0x41] =	vst.msk $0xffff, v1;
	s18 =	sadd.s32 s22, s19;
	(pc) =	sbr.rel @p1 .LBB1_3-.Ltmp3, $4  }
0x44: {  	v3 =	vld [tilespmem:s17+$0x10];
	[tilespmem:s18+$0x1C70 ss:$0x41] =	vst.msk $0xffff, v0  }
0x45: {  	[tilespmem:s18+$0x410 ss:$0x41] =	vst.msk $0xffff, v5;
	v2 =	vld [tilespmem:s17+$0x20]  }
0x46: {  	v1 =	vld [tilespmem:s17+$0xFFFFFFC0];
	[tilespmem:s18+$0x820 ss:$0x41] =	vst.msk $0xffff, v6;
	s17 =	sadd.s32 $0x80, s17  }
0x47: {  	s21 =	sadd.s32 $0x4, s21;
	v0 =	vld [tilespmem:s17+$0x30];
	[tilespmem:s18+$0xC30 ss:$0x41] =	vst.msk $0xffff, v7  }
0x48: {  	s21 =	sshll.u32 s9, $0x7;
	s22 =	sshll.u32 s10, $0x3;
	s20 =	sshra.s32 s20, $0x2  }
0x49: {  	p1 =	sgt.s32 s9, $0xF41C0;
	s30 =	sshra.s32 s9, $0x1F;
	s25 =	sshra.s32 s10, $0x1F  }
0x4a: {  	v5 =	vld [tilespmem:s17+$0xFFFFFFD0];
	s28 =	sshrl.u32 s10, $0x3;
	s23 =	sand.u32 $0xFFFFFC00, s21;
	s22 =	sand.u32 $0xFFFFFC00, s22  }
0x4b: {  	[tilespmem:s18+$0x1040 ss:$0x41] =	vst.msk $0xffff, v4;
	v58 =	vld [tilespmem:s17+$0xFFFFFFE0];
	s21 =	sand.u32 $0x380, s21;
	s19 =	sadd.s32 s20, s19;
	s22 =	sadd.s32 s22, s23  }
0x4c: {  	v59 =	vld [tilespmem:s17+$0xFFFFFFF0];
	[tilespmem:s18+$0x1450 ss:$0x41] =	vst.msk $0xffff, v3;
	s29 =	sor.u32 s21, s22;
	s21 =	smov.u32 s9;
	s22 =	sand.u32 s30, s9  }
0x4d: {  	v60 =	vld [tilespmem:s17+$0x0];
	[tilespmem:s18+$0x1860 ss:$0x41] =	vst.msk $0xffff, v2;
	s30 =	sand.u32 $0x7, s10;
	s20 =	sshrl.u32 s29, $0x7;
	s21 =	simm.s32 @!p1 $0xF41C0  }
0x4e: {  	v61 =	vld [tilespmem:s17+$0x10];
	[tilespmem:s18+$0x0 ss:$0x41] =	vst.msk $0xffff, v1;
	p1 =	sgt.s32 s10, $0x40;
	s24 =	ssub.s32 s21, s22;
	s21 =	smov.u32 s10  }
0x4f: {  	v62 =	vld [tilespmem:s17+$0x20];
	[tilespmem:s19+$0x1C70 ss:$0x41] =	vst.msk $0xffff, v0;
	s31 =	smulhi.u32 $0x218DEF5, s20;
	s22 =	sand.u32 s25, s10;
	s21 =	simm.s32 @!p1 $0x40  }
0x50: {  	v63 =	vld [tilespmem:s17+$0xFFFFFFC0];
	[tilespmem:s19+$0x410 ss:$0x41] =	vst.msk $0xffff, v5;
	s26 =	sadd.s32 $0xFFF0BE40, s24;
	s17 =	ssub.s32 $0xF4240, s24;
	s21 =	ssub.s32 s21, s22  }
0x51: {  	[tilespmem:s19+$0x820 ss:$0x41] =	vst.msk $0xffff, v58;
	s23 =	sshrl.u32 s31, $0xD;
	p1 =	sgt.s32 s26, $0x7F;
	s27 =	sadd.s32 $0xFFFFFFC0, s21  }
0x52: {  	[tilespmem:s19+$0xC30 ss:$0x41] =	vst.msk $0xffff, v59;
	s23 =	smul.u32 $0xF4240, s23;
	s18 =	ssub.s32 $0x80, s21;
	p2 =	sgt.s32 s27, $0x3F  }
.Ltmp4:
0x53: {  	[tilespmem:s19+$0x1040 ss:$0x41] =	vst.msk $0xffff, v60;
	s17 =	simm.s32 @p1 $0x0;
	s18 =	simm.s32 @p2 $0x0;
	(pc) =	sbr.rel .LBB1_5-.Ltmp4, $4  }
0x54: {  	s29 =	sand.u32 $0xF, s28;
	[tilespmem:s19+$0x1450 ss:$0x41] =	vst.msk $0xffff, v61;
	s20 =	ssub.s32 s20, s23;
	s17 =	smul.u32 s18, s17  }
0x55: {  	[tilespmem:s19+$0x1860 ss:$0x41] =	vst.msk $0xffff, v62;
	s21 =	sshll.u32 s30, $0x12;
	s20 =	sshll.u32 s20, $0x4;
	s18 =	sadd.s32 s5, s29  }
0x56: {  	[tilespmem:s19+$0x0 ss:$0x41] =	vst.msk $0xffff, v63;
	s31 =	sor.u32 $0x40, s21;
	s18 =	sadd.s32 s20, s18;
	s17 =	sand.u32 $0x3FFFFFFF, s17  }
0x57: {  	[hbm4b:s18+s31] =	stream.strided.scatter [tilespmem:s16], [sflag:$0x2], s17, s8, s31, $0x18;
	[tilespmem:$0x8100] =	vst v63  }
.LBB1_6:
0x58: {  	_ =	sfence.sel $0x180000  }
0x59: {  	s2 =	simm.s32 $0x1;
	[bflag:$0x0] =	sbarrier.arrive $0xFFFF  }
0x5a: {  	s31 =	simm.s32 $0x2;
	[sflag:s2] =	ssyncpa.u1 $0x1  }
0x5b: {  	[sflag:s31] =	ssyncpa.u1 $0x1  }
0x5c: {  	p0 =	sne.s32 s1, $0x0;
	_ =	strace $0x90000047  }
0x5d: {  	s0 =	sadd.s32 @!p0 $0x100000, s0;
	[bflag:$0x2] =	sbarrier.arrive $0xFFFF  }
0x5e: {  	[sflag:s0] =	ssyncadd.tile.s32 @!p0 $0x1;
	_ =	shalt  }
.Lfunc_end1:
_tile_overlayer_lowered:
.L_overlay_start_2:
0x5f: {  	(tag) =	ssettag $0x2  }
0x60: {  	s0 =	rddreg [dreg:$0x0];
	s2 =	stileid.u32  }
0x61: {  	s1 =	rddreg [dreg:$0x1];
	p0 =	sne.s32 s2, $0x0  }
0x62: {  	s3 =	rddreg [dreg:$0x2];
	[bflag:$0x3] =	sbarrier.arrive $0xFFFF;
	s2 =	simm.s32 @!p0 $0x1C01  }
0x63: {  	[timem:s3], [sflag:s2] =	dma.local @!p0 [hbm:s0], s1  }
0x64: {  	s0 =	simm.s32 @!p0 $0x1  }
0x65: {  	_ =	swait.ge @!p0 [sflag:s0], s1  }
0x66: {  	s1 =	ssub.s32 @!p0 $0x0, s1;
	[sflag:s0] =	ssyncset.done @!p0 $0x0  }
0x67: {  	[sflag:s0] =	ssyncadd.s32 @!p0 s1  }
0x68: {  	[bflag:$0x3] =	sbarrier.arrive $0xFFFF  }
0x69: {  	_ =	shalt  }

// kernel: sparse-core-data-format-call.cloned.1.call-start
scs
called_computation_lowered:
.L_overlay_start_0:
0x0: {  	s2 =	sld [smem:$0x3FD9]  }
0x1: {  	s3 =	sld [smem:$0x3FFE];
	_ =	sdelay $0x1  }
0x2: {  	s1 =	srdreg.scid  }
0x3: {  	s0 =	sand.u32 $0x1, s1  }
0x4: {  	s18 =	sshll.u32 s0, $0xA;
	s2 =	sadd.s32 s3, s2  }
0x5: {  	s2 =	sadd.s32 s2, s18  }
0x6: {  	[smem:$0x3FC6] =	sst s2  }
0x7: {  	_ = 	snop  }
0x8: {  	s2 =	sld [smem:$0x3FD0];
	(tm) =	ssettm $0x1  }
0x9: {  	s19 =	sld [smem:$0x3FFB];
	_ =	sdelay $0x3  }
0xa: {  	_ =	strace s19  }
0xb: {  	s3 =	sld [smem:$0x3FFC];
	_ =	sdelay $0x3  }
0xc: {  	_ =	strace s3  }
0xd: {  	s3 =	sld [smem:$0x3FFD];
	_ =	sdelay $0x3  }
0xe: {  	_ =	strace s3  }
0xf: {  	_ =	strace $0x8FFFFFFF  }
0x10: {  	s20 =	sld [smem:$0x3FDB];
	_ =	sdelay $0x1  }
0x11: {  	s4 =	simm.s32 $_scs_section_size  }
0x12: {  	s5 =	simm.s32 $_size__tile_overlayer_lowered;
	s6 =	simm.s32 $_tile_overlayer_lowered  }
0x13: {  	s23 =	simm.s32 $0x1BFF;
	s22 =	sshll.u32 s6, $0x1;
	s3 =	sadd.s32 s4, s20  }
0x14: {  	s7 =	simm.s32 $0x0;
	s21 =	sshll.u32 s5, $0x1;
	s5 =	sadd.s32 s22, s3  }
0x15: {  	[timem:s7], [sflag:s23] =	dma.local [hbm:s5], s21  }
0x16: {  	_ =	swait.ge [sflag:s23], s21  }
0x17: {  	s4 =	ssub.s32 $0x0, s21;
	[sflag:s23] =	ssyncset.done $0x0  }
0x18: {  	[sflag:s23] =	ssyncadd.s32 s4;
	_ =	sdelay $0x1  }
0x19: {  	s24 =	simm.s32 $0x1B8B  }
0x1a: {  	_ =	swait.ge [sflag:s24], $0x1  }
0x1b: {  	[sflag:s24] =	ssyncset.done $0x0  }
0x1c: {  	s26 =	simm.s32 $0x1B8E;
	s25 =	sld [smem:$0x3FFE];
	[sflag:s24] =	ssyncadd.s32 $0xFFFFFFFF  }
0x1d: {  	s27 =	simm.s32 $execute0_lowered;
	[smem:$0x3FD2] =	sst s26  }
0x1e: {  	s5 =	sshll.u32 s27, $0x1;
	_ =	strace $0x8000004C;
	[dreg:$0x1] =	wrdreg $0xFFFFFFFF  }
0x1f: {  	s28 =	simm.s32 $_size_execute0_lowered;
	s3 =	sadd.s32 s3, s5;
	[dreg:$0x0] =	wrdreg $0x0  }
0x20: {  	s5 =	sshll.u32 s28, $0x1;
	[dreg:$0x2] =	wrdreg s3  }
0x21: {  	[dreg:$0x3] =	wrdreg s5  }
0x22: {  	[dreg:$0x4] =	wrdreg $0xC0  }
0x23: {  	_ =	task [dreg:s7], $0x5FFFF  }
0x24: {  	[dreg:$0x1] =	wrdreg $0xFFFFFFFF  }
0x25: {  	[dreg:$0x0] =	wrdreg $0x60  }
0x26: {  	[dreg:$0x2] =	wrdreg s25  }
0x27: {  	[dreg:$0x3] =	wrdreg s2  }
0x28: {  	[dreg:$0x4] =	wrdreg $0x9  }
0x29: {  	_ =	task.clear_ibuf [dreg:s7], $0x5FFFF;
	_ =	strace $0x9000004C  }
0x2a: {  	s29 =	simm.s32 $0x9;
	_ =	strace $0x8000004E  }
0x2b: {  	_ =	swait.ge [sflag:s29], $0x1  }
0x2c: {  	[sflag:s29] =	ssyncadd.s32 $0xFFFFFFFF  }
0x2d: {  	_ =	strace $0x9000004E  }
0x2e: {  	_ =	sfence  }
0x2f: {  	s30 =	sld [smem:$0x0];
	_ =	sdelay $0x2  }
0x30: {  	s31 =	sshll.u32 s1, $0xD;
	s1 =	sshrl.u32 s1, $0x2  }
0x31: {  	s3 =	sand.u32 $0x4000, s31;
	s1 =	sadd.s32 s1, s30  }
0x32: {  	s0 =	sor.u32 s3, s0;
	s1 =	sshll.u32 s1, $0x11  }
0x33: {  	s0 =	sor.u32 s1, s0  }
0x34: {  	s0 =	sadd.s32 $0x8F2B, s0  }
0x35: {  	[sflag:s0] =	ssyncadd.remote.s32 $0x1  }
0x36: {  	_ =	sfence.sel $0xFFFF  }
0x37: {  	[dreg:$0x0] =	wrdreg $0xFFFFFFFF;
	(pc) =	sbr.abs _section_cstart, $3  }
0x38: {  	[dreg:$0x1] =	wrdreg $0xFFFFFFFF  }
0x39: {  	_ =	task.clear_ibuf [dreg:s7], $0x2FFFF;
	_ =	strace $0x9FFFFFFF  }
0x3a: {  	(tm) =	ssettm $0x7FFFFFFF  }
0x3b: {  	_ =	shalt  }
tec
execute0_lowered:
.L_overlay_start_1:
0x0: {  	(tag) =	ssettag $0x1  }
0x1: {  	s0 =	srdreg.scid  }
0x2: {  	s1 =	sshll.u32 s0, $0x4  }
0x3: {  	s0 =	stileid.u32;
	s1 =	sand.u32 $0x10, s1  }
0x4: {  	s7 =	rddreg [dreg:$0x0];
	s1 =	sor.u32 s0, s1  }
0x5: {  	s4 =	simm.s32 $0x1;
	s8 =	simm.s32 $0x2;
	s2 =	sshll.u32 s1, $0x7  }
0x6: {  	s13 =	simm.s32 $0x0;
	s9 =	simm.s32 $0x20000;
	s1 =	ssub.s32 $0x4000, s2  }
0x7: {  	s14 =	simm.s32 $0x0;
	s11 =	simm.s32 $0x0;
	s3 =	sand.u32 $0xF80, s1  }
0x8: {  	s12 =	simm.s32 $0x0;
	s5 =	sshrl.u32 s1, $0xC;
	p0 =	sne.s32 s3, $0x0  }
.Ltmp0:
0x9: {  	s1 =	rddreg [dreg:$0x2];
	s4 =	simm.s32 @!p0 $0x0;
	(pc) =	sbr.rel .LBB1_1-.Ltmp0, $4  }
0xa: {  	s6 =	sadd.s32 $0xE00, s7;
	s3 =	rddreg [dreg:$0x1];
	s5 =	sadd.s32 s4, s5  }
0xb: {  	_ =	strace $0x8000004D;
	s4 =	simm.s32 $0x1;
	s5 =	smul.u32 $0xA, s5  }
0xc: {  	s7 =	sadd.s32 $0x40E00, s7;
	s10 =	smov.u32 s2;
	[sflag:s4] =	ssyncpa.u1 $0x0  }
0xd: {  	p0 =	por $0x0, $0x0;
	[sflag:s8] =	ssyncpa.u1 $0x0;
	s8 =	sor.u32 $0x1, s5  }
.LBB1_7:
0xe: {  	s15 =	sadd.s32 $0x1000, s10  }
0xf: {  	s13 =	sadd.s32 $0x2, s11;
	s17 =	smov.u32 s11;
	p2 =	sgt.s32 s15, $0x3FFF  }
0x10: {  	s17 =	smov.u32 @p2 s13  }
0x11: {  	s15 =	smov.u32 @p2 s2;
	p2 =	sgt.s32 s17, $0x13  }
0x12: {  	s17 =	simm.s32 @p2 $0x0;
	p2 =	sne.s32 s12, s8  }
.Ltmp1:
0x13: {  	p1 =	slt.u32 s12, $0x2;
	(pc) =	sbr.rel @!p2 .LBB1_8-.Ltmp1, $4  }
0x14: {  	s16 =	simm.s32 @!p1 $0x2  }
0x15: {  	s14 =	smov.u32 s11;
	p0 =	por !p0, !p0;
	_ =	swait.ge @!p1 [sflag:s16], $0x4000  }
0x16: {  	s13 =	smov.u32 s10;
	[sflag:s16] =	ssyncset.done @!p1 $0x0;
	s10 =	smov.u32 s15  }
0x17: {  	s12 =	sadd.s32 $0x1, s12;
	[sflag:s16] =	ssyncadd.s32 @!p1 $0xFFFFC000;
	s11 =	smov.u32 s17  }
.LBB1_1:
0x18: {  	p1 =	sge.u32 s12, s5  }
0x19: {  	s15 =	sxor.u32 @!p1 $0xFFFFFFFF, s12;
	s16 =	sshll.u32 @!p1 s11, $0x12  }
0x1a: {  	s17 =	sshll.u32 @!p1 s10, $0x4;
	s19 =	simm.s32 @!p1 $0x40;
	s20 =	simm.s32 @!p1 $0x80  }
0x1b: {  	s15 =	sshll.u32 @!p1 s15, $0xE;
	s17 =	sand.u32 @!p1 $0x3FFF0, s17;
	s18 =	sadd.s32 @!p1 s6, s16  }
0x1c: {  	s16 =	sadd.s32 @!p1 s16, s7;
	s15 =	sand.u32 @!p1 $0x4000, s15;
	s18 =	sadd.s32 @!p1 s17, s18  }
0x1d: {  	[tilespmem:s15], [sflag:$0x1] =	stream.strided.gather @!p1 [hbm4b:s18+s19], $0x2000, s20, s19, $0x38;
	[tilespmem:$0x10100] =	vst v63  }
0x1e: {  	s31 =	sadd.s32 $0xFFFFFFFF, s12;
	s16 =	sadd.s32 @!p1 s17, s16;
	s15 =	sor.u32 @!p1 $0x2000, s15  }
0x1f: {  	[tilespmem:s15], [sflag:$0x1] =	stream.strided.gather @!p1 [hbm4b:s16+s19], $0x2000, s20, s19, $0x38;
	[tilespmem:$0x10100] =	vst v63  }
0x20: {  	p1 =	sge.u32 s31, s5  }
.Ltmp2:
0x21: {  	_ = 	snop;
	(pc) =	sbr.rel @p1 .LBB1_7-.Ltmp2, $1  }
0x22: {  	_ =	sdelay $0x3  }
0x23: {  	s15 =	simm.s32 $0x1;
	s17 =	sand.u32 $0x1, s12  }
0x24: {  	_ =	swait.ge [sflag:s4], $0x4000;
	s15 =	simm.s32 @!p0 $0x0;
	s17 =	smul.u32 $0x10200, s17  }
0x25: {  	p2 =	por $0x1, $0x1;
	[sflag:s4] =	ssyncset.done $0x0;
	s16 =	smul.u32 $0x10200, s15  }
0x26: {  	s18 =	sshll.u32 s15, $0x10;
	[sflag:s4] =	ssyncadd.s32 $0xFFFFC000;
	s30 =	sshrl.u32 s17, $0x2  }
0x27: {  	s31 =	sshrl.u32 s18, $0x2;
	s18 =	simm.s32 $0x0;
	s16 =	sshrl.u32 s16, $0x2  }
0x28: {  	s15 =	sor.u32 $0x8000, s30;
	s17 =	sadd.s32 $0x20, s31;
	s16 =	sor.u32 $0x8000, s16  }
.LBB1_3:
0x29: {  	s19 =	sshll.u32 s18, $0xD  }
0x2a: {  	s19 =	sand.u32 $0x3FFFE000, s19  }
0x2b: {  	s21 =	sadd.s32 s19, s17  }
0x2c: {  	s31 =	smul.u32 $0x8100, s18;
	v3 =	vld [tilespmem:s21+$0x10]  }
0x2d: {  	v1 =	vld [tilespmem:s21+$0xFFFFFFF0]  }
0x2e: {  	s18 =	sshra.s32 s31, $0x2;
	v0 =	vld [tilespmem:s21+$0x0]  }
0x2f: {  	s18 =	sadd.s32 s18, s16;
	v2 =	vld [tilespmem:s21+$0xFFFFFFE0]  }
0x30: {  	s19 =	sadd.s32 $0x0, s18  }
0x31: {  	p1 =	por p2, p2;
	s20 =	simm.s32 $0x4;
	s21 =	sadd.s32 $0x40, s21;
	[tilespmem:s19+$0x1830 ss:$0x81] =	vst.msk $0xffff, v3  }
.LBB1_4:
0x32: {  	v3 =	vld [tilespmem:s21+$0x10];
	p2 =	sne.s32 s20, $0x1FC;
	[tilespmem:s19+$0x810 ss:$0x81] =	vst.msk $0xffff, v1;
	s22 =	smov.u32 s20;
	s20 =	sadd.s32 $0x4, s20  }
.Ltmp3:
0x33: {  	v1 =	vld [tilespmem:s21+$0xFFFFFFF0];
	[tilespmem:s19+$0x1020 ss:$0x81] =	vst.msk $0xffff, v0;
	(pc) =	sbr.rel @p2 .LBB1_4-.Ltmp3, $4  }
0x34: {  	v0 =	vld [tilespmem:s21+$0x0];
	[tilespmem:s19+$0x0 ss:$0x81] =	vst.msk $0xffff, v2  }
0x35: {  	s19 =	sshra.s32 s22, $0x2;
	v2 =	vld [tilespmem:s21+$0xFFFFFFE0]  }
0x36: {  	s19 =	sadd.s32 s19, s18  }
0x37: {  	s21 =	sadd.s32 $0x40, s21;
	[tilespmem:s19+$0x1830 ss:$0x81] =	vst.msk $0xffff, v3  }
.Ltmp4:
0x38: {  	(pc) =	sbr.rel @p1 .LBB1_3-.Ltmp4, $4  }
0x39: {  	_ = 	snop  }
0x3a: {  	[tilespmem:s19+$0x810 ss:$0x81] =	vst.msk $0xffff, v1  }
0x3b: {  	[tilespmem:s19+$0x1020 ss:$0x81] =	vst.msk $0xffff, v0  }
0x3c: {  	s18 =	simm.s32 $0x1;
	p2 =	por $0x0, $0x0;
	[tilespmem:s19+$0x0 ss:$0x81] =	vst.msk $0xffff, v2  }
0x3d: {  	s16 =	sshll.u32 s13, $0x3;
	s17 =	sand.u32 $0x78, s13;
	s14 =	sshll.u32 s14, $0x11  }
.Ltmp5:
0x3e: {  	s30 =	sand.u32 $0x1F800, s13;
	s16 =	sand.u32 $0x3C00, s16;
	(pc) =	sbr.rel .LBB1_7-.Ltmp5, $4  }
0x3f: {  	s31 =	sand.u32 $0x7, s13;
	s14 =	sadd.s32 s3, s14;
	s16 =	sor.u32 s17, s16  }
0x40: {  	s13 =	sshll.u32 s31, $0x12;
	s14 =	sadd.s32 s30, s14;
	s16 =	sshrl.u32 s16, $0x3  }
0x41: {  	s13 =	sor.u32 $0x400, s13;
	s14 =	sadd.s32 s16, s14  }
0x42: {  	[hbm4b:s14+s13] =	stream.strided.scatter [tilespmem:s15], [sflag:$0x2], $0x4000, s9, s13, $0x20;
	[tilespmem:$0x10100] =	vst v63  }
.LBB1_8:
0x43: {  	_ =	sfence.sel $0x180000  }
0x44: {  	s2 =	simm.s32 $0x1;
	[bflag:$0x0] =	sbarrier.arrive $0xFFFF  }
0x45: {  	s31 =	simm.s32 $0x2;
	[sflag:s2] =	ssyncpa.u1 $0x1  }
0x46: {  	[sflag:s31] =	ssyncpa.u1 $0x1  }
0x47: {  	p0 =	sne.s32 s0, $0x0;
	_ =	strace $0x9000004D  }
0x48: {  	s0 =	sadd.s32 @!p0 $0x100000, s1;
	[bflag:$0x2] =	sbarrier.arrive $0xFFFF  }
0x49: {  	[sflag:s0] =	ssyncadd.tile.s32 @!p0 $0x1;
	_ =	shalt  }
.Lfunc_end1:
_tile_overlayer_lowered:
.L_overlay_start_2:
0x4a: {  	(tag) =	ssettag $0x2  }
0x4b: {  	s0 =	rddreg [dreg:$0x0];
	s2 =	stileid.u32  }
0x4c: {  	s1 =	rddreg [dreg:$0x1];
	p0 =	sne.s32 s2, $0x0  }
0x4d: {  	s3 =	rddreg [dreg:$0x2];
	[bflag:$0x3] =	sbarrier.arrive $0xFFFF;
	s2 =	simm.s32 @!p0 $0x1C01  }
0x4e: {  	[timem:s3], [sflag:s2] =	dma.local @!p0 [hbm:s0], s1  }
0x4f: {  	s0 =	simm.s32 @!p0 $0x1  }
0x50: {  	_ =	swait.ge @!p0 [sflag:s0], s1  }
0x51: {  	s1 =	ssub.s32 @!p0 $0x0, s1;
	[sflag:s0] =	ssyncset.done @!p0 $0x0  }
0x52: {  	[sflag:s0] =	ssyncadd.s32 @!p0 s1  }
0x53: {  	[bflag:$0x3] =	sbarrier.arrive $0xFFFF  }
0x54: {  	_ =	shalt  }

</sc_bundles>
